<compile_context>
chip_gen: v7x
topology: tpu7x:2x2x1
jax: 0.10.2.dev20260603
libtpu: 0.0.44.dev20260713+nightly
codegen_flags: <defaults>
</compile_context>

<pallas_src>
import functools

import jax
import jax.numpy as jnp
from jax import lax
from jax.experimental import pallas as pl
from jax.experimental.pallas import tpu as pltpu
from jax.experimental.pallas import tpu_sc as plsc

NC = 2
NS = 16
NW = NC * NS
LANES = 16
CHUNK = 128


def _sc_partials(x, src, dst):
    n, d = x.shape
    e = src.shape[0]
    n_chunks = e // CHUNK
    assert e % CHUNK == 0
    n_acc = ((n + NS * CHUNK - 1) // (NS * CHUNK)) * (NS * CHUNK)
    zchunks = n_acc // (NS * CHUNK)
    outer = (n_chunks + NW - 1) // NW
    outer4 = ((outer + 3) // 4) * 4

    ROWS_A = (n // NS) // 8 * 8
    ROWS_LAST = n - (NS - 1) * ROWS_A
    LAST_BASE = (NS - 1) * ROWS_A

    mesh = plsc.VectorSubcoreMesh(core_axis_name="c", subcore_axis_name="s")

    @functools.partial(
        pl.kernel,
        mesh=mesh,
        out_type=jax.ShapeDtypeStruct((NC, n, d), jnp.float32),
        scratch_types=[
            pltpu.VMEM_SHARED((n_acc, d), jnp.float32),
            pltpu.VMEM((CHUNK,), jnp.int32),
            pltpu.VMEM((CHUNK,), jnp.int32),
            pltpu.VMEM((CHUNK,), jnp.int32),
            pltpu.VMEM((CHUNK,), jnp.int32),
            pltpu.VMEM((CHUNK,), jnp.int32),
            pltpu.VMEM((CHUNK,), jnp.int32),
            pltpu.VMEM((CHUNK, d), jnp.float32),
            pltpu.VMEM((CHUNK, d), jnp.float32),
            pltpu.SemaphoreType.DMA,
            pltpu.SemaphoreType.DMA,
            pltpu.SemaphoreType.DMA,
            pltpu.SemaphoreType.DMA,
            pltpu.SemaphoreType.DMA,
            pltpu.SemaphoreType.DMA,
            pltpu.SemaphoreType.DMA,
            pltpu.SemaphoreType.DMA,
        ],
    )
    def sc_kernel(
        x_hbm, src_hbm, dst_hbm, out_hbm,
        acc, src_v0, src_v1, dst_v0, dst_v1, dst_v2, dst_v3, rows0, rows1,
        sem0, sem1, sem_s0, sem_s1, sem_d0, sem_d1, sem_d2, sem_d3,
    ):
        c = lax.axis_index("c")
        s = lax.axis_index("s")
        wid = s * NC + c
        gring = ((src_v0, rows0, sem0, sem_s0), (src_v1, rows1, sem1, sem_s1))
        dring = (
            (dst_v0, sem_d0), (dst_v1, sem_d1),
            (dst_v2, sem_d2), (dst_v3, sem_d3),
        )

        HA = ROWS_A // 2
        HL = ROWS_LAST // 2
        base = pl.multiple_of(s * ROWS_A, 8)

        @pl.when(c == 0)
        def _():
            @pl.when(s < NS - 1)
            def _():
                pltpu.async_copy(
                    x_hbm.at[pl.ds(base, HA)],
                    acc.at[pl.ds(base, HA)],
                    sem_s0,
                )
                pltpu.async_copy(
                    x_hbm.at[pl.ds(base + HA, HA)],
                    acc.at[pl.ds(base + HA, HA)],
                    sem_s1,
                )

            @pl.when(s == NS - 1)
            def _():
                pltpu.async_copy(
                    x_hbm.at[pl.ds(LAST_BASE, HL)],
                    acc.at[pl.ds(LAST_BASE, HL)],
                    sem_s0,
                )
                pltpu.async_copy(
                    x_hbm.at[pl.ds(LAST_BASE + HL, HL)],
                    acc.at[pl.ds(LAST_BASE + HL, HL)],
                    sem_s1,
                )

        @pl.when(c != 0)
        def _():
            @pl.loop(0, CHUNK)
            def _(i):
                @pl.loop(0, d // LANES)
                def _(j):
                    rows0[i, pl.ds(j * LANES, LANES)] = jnp.zeros(
                        (LANES,), jnp.float32
                    )

            @pl.loop(0, zchunks)
            def _(kk):
                pltpu.async_copy(
                    rows0,
                    acc.at[pl.ds((s * zchunks + kk) * CHUNK, CHUNK)],
                    sem_s0,
                )

        for t, (src_v, rows, sem, _sem_s) in enumerate(gring):
            pltpu.sync_copy(
                src_hbm.at[pl.ds((wid + t * NW) * CHUNK, CHUNK)], src_v
            )
        for v, (dst_v, sem_d) in enumerate(dring):
            pltpu.async_copy(
                dst_hbm.at[pl.ds((wid + v * NW) * CHUNK, CHUNK)], dst_v, sem_d
            )

        @pl.when(c == 0)
        def _():
            @pl.when(s < NS - 1)
            def _():
                pltpu.make_async_copy(
                    x_hbm.at[pl.ds(base, HA)], acc.at[pl.ds(base, HA)], sem_s0
                ).wait()
                pltpu.make_async_copy(
                    x_hbm.at[pl.ds(base + HA, HA)],
                    acc.at[pl.ds(base + HA, HA)],
                    sem_s1,
                ).wait()

            @pl.when(s == NS - 1)
            def _():
                pltpu.make_async_copy(
                    x_hbm.at[pl.ds(LAST_BASE, HL)],
                    acc.at[pl.ds(LAST_BASE, HL)],
                    sem_s0,
                ).wait()
                pltpu.make_async_copy(
                    x_hbm.at[pl.ds(LAST_BASE + HL, HL)],
                    acc.at[pl.ds(LAST_BASE + HL, HL)],
                    sem_s1,
                ).wait()

        @pl.when(c != 0)
        def _():
            @pl.loop(0, zchunks)
            def _(kk):
                pltpu.make_async_copy(
                    rows0,
                    acc.at[pl.ds((s * zchunks + kk) * CHUNK, CHUNK)],
                    sem_s0,
                ).wait()

        for t, (src_v, rows, sem, _sem_s) in enumerate(gring):
            pltpu.async_copy(x_hbm.at[src_v], rows, sem)

        plsc.subcore_barrier()

        @pl.loop(0, outer4, step=4)
        def _(j):
            for v in range(4):
                src_v, rows, sem, sem_s = gring[v % 2]
                dst_v, sem_d = dring[v]
                chunk = wid + (j + v) * NW

                @pl.when(chunk < n_chunks)
                def _():
                    nxt = chunk + 2 * NW
                    nxt4 = chunk + 4 * NW

                    pltpu.make_async_copy(x_hbm.at[src_v], rows, sem).wait()

                    @pl.when(nxt < n_chunks)
                    def _():
                        pltpu.async_copy(
                            src_hbm.at[pl.ds(nxt * CHUNK, CHUNK)],
                            src_v,
                            sem_s,
                        )

                    pltpu.make_async_copy(
                        dst_hbm.at[pl.ds(chunk * CHUNK, CHUNK)], dst_v, sem_d
                    ).wait()
                    pltpu.sync_copy(rows, acc.at[dst_v], add=True)

                    @pl.when(nxt < n_chunks)
                    def _():
                        pltpu.make_async_copy(
                            src_hbm.at[pl.ds(nxt * CHUNK, CHUNK)],
                            src_v,
                            sem_s,
                        ).wait()
                        pltpu.async_copy(x_hbm.at[src_v], rows, sem)

                    @pl.when(nxt4 < n_chunks)
                    def _():
                        pltpu.async_copy(
                            dst_hbm.at[pl.ds(nxt4 * CHUNK, CHUNK)],
                            dst_v,
                            sem_d,
                        )

        plsc.subcore_barrier()

        wbase = pl.multiple_of(s * ROWS_A, 8)

        @pl.when(s < NS - 1)
        def _():
            pltpu.sync_copy(
                acc.at[pl.ds(wbase, ROWS_A)],
                out_hbm.at[c].at[pl.ds(wbase, ROWS_A)],
            )

        @pl.when(s == NS - 1)
        def _():
            pltpu.sync_copy(
                acc.at[pl.ds(LAST_BASE, ROWS_LAST)],
                out_hbm.at[c].at[pl.ds(LAST_BASE, ROWS_LAST)],
            )

    return sc_kernel(x, src, dst)


def _tc_linear(p, wt, b):
    _, n, d = p.shape
    tm = 2000
    assert n % tm == 0

    def mm_kernel(p_ref, wt_ref, b_ref, o_ref):
        h = p_ref[0] + p_ref[1]
        o_ref[...] = (
            jnp.dot(h, wt_ref[...], preferred_element_type=jnp.float32)
            + b_ref[...]
        )

    return pl.pallas_call(
        mm_kernel,
        grid=(n // tm,),
        in_specs=[
            pl.BlockSpec((NC, tm, d), lambda i: (0, i, 0)),
            pl.BlockSpec((d, d), lambda i: (0, 0)),
            pl.BlockSpec((1, d), lambda i: (0, 0)),
        ],
        out_specs=pl.BlockSpec((tm, d), lambda i: (i, 0)),
        out_shape=jax.ShapeDtypeStruct((n, d), jnp.float32),
    )(p, wt, b.reshape(1, d))


def kernel(x, edge_index, edge_weight, W, b):
    src = edge_index[0].astype(jnp.int32)
    dst = edge_index[1].astype(jnp.int32)
    partials = _sc_partials(x, src, dst)
    return _tc_linear(partials, W.T, b)

# --- scband reference (transcript-rebuilt; emitter-appended) ---
"""Pipeline reference for scband-my-ginconv-18614388261141 (READ-ONLY COPY).

The authoritative reference and input builder live on the scoring server;
editing this copy changes nothing except your own understanding.
"""

import jax, jax.numpy as jnp
import numpy as np

N_NODES = 10000
N_EDGES = 320000
D_IN = 128
D_OUT = 128

def setup_inputs(seed: int = 0) -> dict:
    key = jax.random.key(seed)
    k1, k2, k3, k4 = jax.random.split(key, 4)
    x = jax.random.normal(k1, (N_NODES, D_IN), dtype=jnp.float32)
    edge_index = jax.random.randint(k2, (2, N_EDGES), 0, N_NODES, dtype=jnp.int64)
    edge_weight = jax.random.uniform(k3, (N_EDGES,), dtype=jnp.float32)
    # Linear layer params (PyTorch nn.Linear: W[out,in], b[out])
    bound = 1.0 / np.sqrt(D_IN)
    kw, kb = jax.random.split(k4)
    W = jax.random.uniform(kw, (D_OUT, D_IN), minval=-bound, maxval=bound, dtype=jnp.float32)
    b = jax.random.uniform(kb, (D_OUT,), minval=-bound, maxval=bound, dtype=jnp.float32)
    return {"x": x, "edge_index": edge_index, "edge_weight": edge_weight, "W": W, "b": b}

def reference(x, edge_index, edge_weight, W, b):
    # GINConv with eps=0, train_eps=False; edge_weight is ignored by the wrapped GINConv.
    src = edge_index[0]
    dst = edge_index[1]
    # message: x_j (source node features), aggregate: sum at dst
    msgs = jnp.take(x, src, axis=0)
    aggr = jax.ops.segment_sum(msgs, dst, num_segments=x.shape[0])
    h = (1.0 + 0.0) * x + aggr
    out = h @ W.T + b
    return out

if __name__ == "__main__":
    import jax
    _d = setup_inputs()
    print(jax.jit(kernel)(*tuple(_d.values())))

</pallas_src>

<mosaic_0001>
#map = affine_map<(d0, d1) -> (0, 0)>
#map1 = affine_map<(d0, d1) -> (0)>
#map2 = affine_map<(d0, d1) -> (0, 0, 0)>
module attributes {stable_mosaic.version = 14 : i64} {
  func.func @sc_kernel(%arg0: i32, %arg1: i32, %arg2: memref<10000x128xf32, #tpu.memory_space<hbm>>, %arg3: memref<320000xi32, #tpu.memory_space<hbm>>, %arg4: memref<320000xi32, #tpu.memory_space<hbm>>, %arg5: memref<2x10000x128xf32, #tpu.memory_space<hbm>>, %arg6: memref<10240x128xf32, #tpu.memory_space<vmem_shared>>, %arg7: memref<128xi32, #tpu.memory_space<vmem>>, %arg8: memref<128xi32, #tpu.memory_space<vmem>>, %arg9: memref<128xi32, #tpu.memory_space<vmem>>, %arg10: memref<128xi32, #tpu.memory_space<vmem>>, %arg11: memref<128xi32, #tpu.memory_space<vmem>>, %arg12: memref<128xi32, #tpu.memory_space<vmem>>, %arg13: memref<128x128xf32, #tpu.memory_space<vmem>>, %arg14: memref<128x128xf32, #tpu.memory_space<vmem>>, %arg15: memref<!tpu.dma_semaphore, #tpu.memory_space<semaphore_mem>>, %arg16: memref<!tpu.dma_semaphore, #tpu.memory_space<semaphore_mem>>, %arg17: memref<!tpu.dma_semaphore, #tpu.memory_space<semaphore_mem>>, %arg18: memref<!tpu.dma_semaphore, #tpu.memory_space<semaphore_mem>>, %arg19: memref<!tpu.dma_semaphore, #tpu.memory_space<semaphore_mem>>, %arg20: memref<!tpu.dma_semaphore, #tpu.memory_space<semaphore_mem>>, %arg21: memref<!tpu.dma_semaphore, #tpu.memory_space<semaphore_mem>>, %arg22: memref<!tpu.dma_semaphore, #tpu.memory_space<semaphore_mem>>) attributes {dimension_semantics = [#tpu.dimension_semantics<core_parallel>, #tpu.dimension_semantics<subcore_parallel>], iteration_bounds = array<i64: 2, 16>, scalar_prefetch = 0 : i64, scratch_operands = 17 : i64, tpu.core_type = #tpu.core_type<sc_vector_subcore>, window_params = [{transform_indices = #map}, {transform_indices = #map1}, {transform_indices = #map1}, {transform_indices = #map2}]} {
    %mul3A = arith.constant 2 : i32
    %mul3A_0 = arith.muli %arg1, %mul3A : i32
    %add3A = arith.addi %mul3A_0, %arg0 : i32
    %mul3A_1 = arith.constant 624 : i32
    %mul3A_2 = arith.muli %arg1, %mul3A_1 : i32
    %multiple_of3A = tpu.assume_multiple %mul3A_2, 8 : i32
    %eq3A = arith.constant 0 : i32
    %eq3A_3 = arith.cmpi eq, %arg0, %eq3A : i32
    %convert_element_type3A = arith.extui %eq3A_3 : i1 to i32
    %cond3A = arith.constant 0 : i32
    %cond3A_4 = arith.cmpi ne, %convert_element_type3A, %cond3A : i32
    scf.if %cond3A_4 {
      %lt3A_73 = arith.constant 15 : i32
      %lt3A_74 = arith.cmpi slt, %arg1, %lt3A_73 : i32
      %convert_element_type3A_75 = arith.extui %lt3A_74 : i1 to i32
      %cond3A_76 = arith.constant 0 : i32
      %cond3A_77 = arith.cmpi ne, %convert_element_type3A_75, %cond3A_76 : i32
      scf.if %cond3A_77 {
        %dma_start3A_83 = arith.constant 0 : i32
        %dma_start3A_84 = tpu.memref_slice %arg6[%multiple_of3A, %dma_start3A_83] : memref<10240x128xf32, #tpu.memory_space<vmem_shared>> -> memref<312x128xf32, #tpu.memory_space<vmem_shared>>
        %dma_start3A_85 = arith.constant 0 : i32
        %dma_start3A_86 = tpu.memref_slice %arg2[%multiple_of3A, %dma_start3A_85] : memref<10000x128xf32, #tpu.memory_space<hbm>> -> memref<312x128xf32, #tpu.memory_space<hbm>>
        tpu.enqueue_dma source(%dma_start3A_86 : memref<312x128xf32, #tpu.memory_space<hbm>>) target(%dma_start3A_84 : memref<312x128xf32, #tpu.memory_space<vmem_shared>>) target_semaphore(%arg17 : memref<!tpu.dma_semaphore, #tpu.memory_space<semaphore_mem>>)
        %add3A_87 = arith.constant 312 : i32
        %add3A_88 = arith.addi %multiple_of3A, %add3A_87 : i32
        %add3A_89 = arith.constant 312 : i32
        %add3A_90 = arith.addi %multiple_of3A, %add3A_89 : i32
        %dma_start3A_91 = arith.constant 0 : i32
        %dma_start3A_92 = tpu.memref_slice %arg6[%add3A_90, %dma_start3A_91] : memref<10240x128xf32, #tpu.memory_space<vmem_shared>> -> memref<312x128xf32, #tpu.memory_space<vmem_shared>>
        %dma_start3A_93 = arith.constant 0 : i32
        %dma_start3A_94 = tpu.memref_slice %arg2[%add3A_88, %dma_start3A_93] : memref<10000x128xf32, #tpu.memory_space<hbm>> -> memref<312x128xf32, #tpu.memory_space<hbm>>
        tpu.enqueue_dma source(%dma_start3A_94 : memref<312x128xf32, #tpu.memory_space<hbm>>) target(%dma_start3A_92 : memref<312x128xf32, #tpu.memory_space<vmem_shared>>) target_semaphore(%arg18 : memref<!tpu.dma_semaphore, #tpu.memory_space<semaphore_mem>>)
      } else {
      }
      %eq3A_78 = arith.constant 15 : i32
      %eq3A_79 = arith.cmpi eq, %arg1, %eq3A_78 : i32
      %convert_element_type3A_80 = arith.extui %eq3A_79 : i1 to i32
      %cond3A_81 = arith.constant 0 : i32
      %cond3A_82 = arith.cmpi ne, %convert_element_type3A_80, %cond3A_81 : i32
      scf.if %cond3A_82 {
        %dma_start3A_83 = arith.constant 9360 : i32
        %dma_start3A_84 = arith.constant 0 : i32
        %dma_start3A_85 = tpu.memref_slice %arg6[%dma_start3A_83, %dma_start3A_84] : memref<10240x128xf32, #tpu.memory_space<vmem_shared>> -> memref<320x128xf32, #tpu.memory_space<vmem_shared>>
        %dma_start3A_86 = arith.constant 9360 : i32
        %dma_start3A_87 = arith.constant 0 : i32
        %dma_start3A_88 = tpu.memref_slice %arg2[%dma_start3A_86, %dma_start3A_87] : memref<10000x128xf32, #tpu.memory_space<hbm>> -> memref<320x128xf32, #tpu.memory_space<hbm>>
        tpu.enqueue_dma source(%dma_start3A_88 : memref<320x128xf32, #tpu.memory_space<hbm>>) target(%dma_start3A_85 : memref<320x128xf32, #tpu.memory_space<vmem_shared>>) target_semaphore(%arg17 : memref<!tpu.dma_semaphore, #tpu.memory_space<semaphore_mem>>)
        %dma_start3A_89 = arith.constant 9680 : i32
        %dma_start3A_90 = arith.constant 0 : i32
        %dma_start3A_91 = tpu.memref_slice %arg6[%dma_start3A_89, %dma_start3A_90] : memref<10240x128xf32, #tpu.memory_space<vmem_shared>> -> memref<320x128xf32, #tpu.memory_space<vmem_shared>>
        %dma_start3A_92 = arith.constant 9680 : i32
        %dma_start3A_93 = arith.constant 0 : i32
        %dma_start3A_94 = tpu.memref_slice %arg2[%dma_start3A_92, %dma_start3A_93] : memref<10000x128xf32, #tpu.memory_space<hbm>> -> memref<320x128xf32, #tpu.memory_space<hbm>>
        tpu.enqueue_dma source(%dma_start3A_94 : memref<320x128xf32, #tpu.memory_space<hbm>>) target(%dma_start3A_91 : memref<320x128xf32, #tpu.memory_space<vmem_shared>>) target_semaphore(%arg18 : memref<!tpu.dma_semaphore, #tpu.memory_space<semaphore_mem>>)
      } else {
      }
    } else {
    }
    %ne3A = arith.constant 0 : i32
    %ne3A_5 = arith.cmpi ne, %arg0, %ne3A : i32
    %convert_element_type3A_6 = arith.extui %ne3A_5 : i1 to i32
    %cond3A_7 = arith.constant 0 : i32
    %cond3A_8 = arith.cmpi ne, %convert_element_type3A_6, %cond3A_7 : i32
    scf.if %cond3A_8 {
      %scan3A_73 = arith.constant 0 : i32
      %scan3A_74 = arith.constant 128 : i32
      %scan3A_75 = arith.addi %scan3A_73, %scan3A_74 : i32
      %scan3A_76 = arith.constant 1 : i32
      scf.for %scan3A_83 = %scan3A_73 to %scan3A_75 step %scan3A_76  : i32 {
        %mul3A_84 = arith.constant 1 : i32
        %mul3A_85 = arith.muli %scan3A_83, %mul3A_84 : i32
        %add3A_86 = arith.constant 0 : i32
        %add3A_87 = arith.addi %add3A_86, %mul3A_85 : i32
        %scan3A_88 = arith.constant 0 : i32
        %scan3A_89 = arith.constant 8 : i32
        %scan3A_90 = arith.addi %scan3A_88, %scan3A_89 : i32
        %scan3A_91 = arith.constant 1 : i32
        scf.for %scan3A_93 = %scan3A_88 to %scan3A_90 step %scan3A_91  : i32 {
          %mul3A_94 = arith.constant 1 : i32
          %mul3A_95 = arith.muli %scan3A_93, %mul3A_94 : i32
          %add3A_96 = arith.constant 0 : i32
          %add3A_97 = arith.addi %add3A_96, %mul3A_95 : i32
          %broadcast_in_dim3A = arith.constant 0.000000e+00 : f32
          %broadcast_in_dim3A_98 = vector.broadcast %broadcast_in_dim3A : f32 to vector<16xf32>
          %mul3A_99 = arith.constant 16 : i32
          %mul3A_100 = arith.muli %add3A_97, %mul3A_99 : i32
          %swap3A = arith.index_cast %add3A_87 : i32 to index
          %swap3A_101 = arith.index_cast %mul3A_100 : i32 to index
          %swap3A_102 = tpu.vector_load %arg13[%swap3A, %swap3A_101] {strides = array<i32>} : memref<128x128xf32, #tpu.memory_space<vmem>>, vector<1x16xf32>,
          %swap3A_103 = vector.shape_cast %swap3A_102 : vector<1x16xf32> to vector<16xf32>
          %swap3A_104 = vector.shape_cast %broadcast_in_dim3A_98 : vector<16xf32> to vector<1x16xf32>
          tpu.vector_store %arg13[%swap3A, %swap3A_101], %swap3A_104 {strides = array<i32>} : memref<128x128xf32, #tpu.memory_space<vmem>>, vector<1x16xf32>,
        }
        %scan3A_92 = arith.constant 8 : i32
      }
      %scan3A_77 = arith.constant 128 : i32
      %scan3A_78 = arith.constant 0 : i32
      %scan3A_79 = arith.constant 5 : i32
      %scan3A_80 = arith.addi %scan3A_78, %scan3A_79 : i32
      %scan3A_81 = arith.constant 1 : i32
      scf.for %scan3A_83 = %scan3A_78 to %scan3A_80 step %scan3A_81  : i32 {
        %mul3A_84 = arith.constant 1 : i32
        %mul3A_85 = arith.muli %scan3A_83, %mul3A_84 : i32
        %add3A_86 = arith.constant 0 : i32
        %add3A_87 = arith.addi %add3A_86, %mul3A_85 : i32
        %mul3A_88 = arith.constant 5 : i32
        %mul3A_89 = arith.muli %arg1, %mul3A_88 : i32
        %add3A_90 = arith.addi %mul3A_89, %add3A_87 : i32
        %mul3A_91 = arith.constant 128 : i32
        %mul3A_92 = arith.muli %add3A_90, %mul3A_91 : i32
        %dma_start3A_93 = arith.constant 0 : i32
        %dma_start3A_94 = tpu.memref_slice %arg6[%mul3A_92, %dma_start3A_93] : memref<10240x128xf32, #tpu.memory_space<vmem_shared>> -> memref<128x128xf32, #tpu.memory_space<vmem_shared>>
        %dma_start3A_95 = arith.constant 0 : i32
        %dma_start3A_96 = tpu.memref_slice %arg6[%mul3A_92, %dma_start3A_95] : memref<10240x128xf32, #tpu.memory_space<vmem_shared>> -> memref<128x128xf32, #tpu.memory_space<vmem_shared>>
        tpu.enqueue_dma source(%arg13 : memref<128x128xf32, #tpu.memory_space<vmem>>) target(%dma_start3A_96 : memref<128x128xf32, #tpu.memory_space<vmem_shared>>) target_semaphore(%arg17 : memref<!tpu.dma_semaphore, #tpu.memory_space<semaphore_mem>>)
      }
      %scan3A_82 = arith.constant 5 : i32
    } else {
    }
    %add3A_9 = arith.constant 0 : i32
    %add3A_10 = arith.addi %add3A, %add3A_9 : i32
    %mul3A_11 = arith.constant 128 : i32
    %mul3A_12 = arith.muli %add3A_10, %mul3A_11 : i32
    "tpu.region"() ({
      %run_scoped3A = tpu.sem_alloc : memref<!tpu.dma_semaphore, #tpu.memory_space<semaphore_mem>>
      %dma_start3A_73 = tpu.memref_slice %arg3[%mul3A_12] : memref<320000xi32, #tpu.memory_space<hbm>> -> memref<128xi32, #tpu.memory_space<hbm>>
      %dma_start3A_74 = tpu.memref_slice %arg3[%mul3A_12] : memref<320000xi32, #tpu.memory_space<hbm>> -> memref<128xi32, #tpu.memory_space<hbm>>
      tpu.enqueue_dma source(%dma_start3A_74 : memref<128xi32, #tpu.memory_space<hbm>>) target(%arg7 : memref<128xi32, #tpu.memory_space<vmem>>) target_semaphore(%run_scoped3A : memref<!tpu.dma_semaphore, #tpu.memory_space<semaphore_mem>>)
      %dma_wait3A = tpu.memref_slice %arg3[%mul3A_12] : memref<320000xi32, #tpu.memory_space<hbm>> -> memref<128xi32, #tpu.memory_space<hbm>>
      %dma_wait3A_75 = tpu.memref_slice %arg3[%mul3A_12] : memref<320000xi32, #tpu.memory_space<hbm>> -> memref<128xi32, #tpu.memory_space<hbm>>
      tpu.wait_dma2 semaphore(%run_scoped3A : memref<!tpu.dma_semaphore, #tpu.memory_space<semaphore_mem>>) src(%dma_wait3A_75 : memref<128xi32, #tpu.memory_space<hbm>>) dst(%arg7 : memref<128xi32, #tpu.memory_space<vmem>>)
      tpu.yield
    }) : () -> ()
    %add3A_13 = arith.constant 32 : i32
    %add3A_14 = arith.addi %add3A, %add3A_13 : i32
    %mul3A_15 = arith.constant 128 : i32
    %mul3A_16 = arith.muli %add3A_14, %mul3A_15 : i32
    "tpu.region"() ({
      %run_scoped3A = tpu.sem_alloc : memref<!tpu.dma_semaphore, #tpu.memory_space<semaphore_mem>>
      %dma_start3A_73 = tpu.memref_slice %arg3[%mul3A_16] : memref<320000xi32, #tpu.memory_space<hbm>> -> memref<128xi32, #tpu.memory_space<hbm>>
      %dma_start3A_74 = tpu.memref_slice %arg3[%mul3A_16] : memref<320000xi32, #tpu.memory_space<hbm>> -> memref<128xi32, #tpu.memory_space<hbm>>
      tpu.enqueue_dma source(%dma_start3A_74 : memref<128xi32, #tpu.memory_space<hbm>>) target(%arg8 : memref<128xi32, #tpu.memory_space<vmem>>) target_semaphore(%run_scoped3A : memref<!tpu.dma_semaphore, #tpu.memory_space<semaphore_mem>>)
      %dma_wait3A = tpu.memref_slice %arg3[%mul3A_16] : memref<320000xi32, #tpu.memory_space<hbm>> -> memref<128xi32, #tpu.memory_space<hbm>>
      %dma_wait3A_75 = tpu.memref_slice %arg3[%mul3A_16] : memref<320000xi32, #tpu.memory_space<hbm>> -> memref<128xi32, #tpu.memory_space<hbm>>
      tpu.wait_dma2 semaphore(%run_scoped3A : memref<!tpu.dma_semaphore, #tpu.memory_space<semaphore_mem>>) src(%dma_wait3A_75 : memref<128xi32, #tpu.memory_space<hbm>>) dst(%arg8 : memref<128xi32, #tpu.memory_space<vmem>>)
      tpu.yield
    }) : () -> ()
    %add3A_17 = arith.constant 0 : i32
    %add3A_18 = arith.addi %add3A, %add3A_17 : i32
    %mul3A_19 = arith.constant 128 : i32
    %mul3A_20 = arith.muli %add3A_18, %mul3A_19 : i32
    %dma_start3A = tpu.memref_slice %arg4[%mul3A_20] : memref<320000xi32, #tpu.memory_space<hbm>> -> memref<128xi32, #tpu.memory_space<hbm>>
    %dma_start3A_21 = tpu.memref_slice %arg4[%mul3A_20] : memref<320000xi32, #tpu.memory_space<hbm>> -> memref<128xi32, #tpu.memory_space<hbm>>
    tpu.enqueue_dma source(%dma_start3A_21 : memref<128xi32, #tpu.memory_space<hbm>>) target(%arg9 : memref<128xi32, #tpu.memory_space<vmem>>) target_semaphore(%arg19 : memref<!tpu.dma_semaphore, #tpu.memory_space<semaphore_mem>>)
    %add3A_22 = arith.constant 32 : i32
    %add3A_23 = arith.addi %add3A, %add3A_22 : i32
    %mul3A_24 = arith.constant 128 : i32
    %mul3A_25 = arith.muli %add3A_23, %mul3A_24 : i32
    %dma_start3A_26 = tpu.memref_slice %arg4[%mul3A_25] : memref<320000xi32, #tpu.memory_space<hbm>> -> memref<128xi32, #tpu.memory_space<hbm>>
    %dma_start3A_27 = tpu.memref_slice %arg4[%mul3A_25] : memref<320000xi32, #tpu.memory_space<hbm>> -> memref<128xi32, #tpu.memory_space<hbm>>
    tpu.enqueue_dma source(%dma_start3A_27 : memref<128xi32, #tpu.memory_space<hbm>>) target(%arg10 : memref<128xi32, #tpu.memory_space<vmem>>) target_semaphore(%arg20 : memref<!tpu.dma_semaphore, #tpu.memory_space<semaphore_mem>>)
    %add3A_28 = arith.constant 64 : i32
    %add3A_29 = arith.addi %add3A, %add3A_28 : i32
    %mul3A_30 = arith.constant 128 : i32
    %mul3A_31 = arith.muli %add3A_29, %mul3A_30 : i32
    %dma_start3A_32 = tpu.memref_slice %arg4[%mul3A_31] : memref<320000xi32, #tpu.memory_space<hbm>> -> memref<128xi32, #tpu.memory_space<hbm>>
    %dma_start3A_33 = tpu.memref_slice %arg4[%mul3A_31] : memref<320000xi32, #tpu.memory_space<hbm>> -> memref<128xi32, #tpu.memory_space<hbm>>
    tpu.enqueue_dma source(%dma_start3A_33 : memref<128xi32, #tpu.memory_space<hbm>>) target(%arg11 : memref<128xi32, #tpu.memory_space<vmem>>) target_semaphore(%arg21 : memref<!tpu.dma_semaphore, #tpu.memory_space<semaphore_mem>>)
    %add3A_34 = arith.constant 96 : i32
    %add3A_35 = arith.addi %add3A, %add3A_34 : i32
    %mul3A_36 = arith.constant 128 : i32
    %mul3A_37 = arith.muli %add3A_35, %mul3A_36 : i32
    %dma_start3A_38 = tpu.memref_slice %arg4[%mul3A_37] : memref<320000xi32, #tpu.memory_space<hbm>> -> memref<128xi32, #tpu.memory_space<hbm>>
    %dma_start3A_39 = tpu.memref_slice %arg4[%mul3A_37] : memref<320000xi32, #tpu.memory_space<hbm>> -> memref<128xi32, #tpu.memory_space<hbm>>
    tpu.enqueue_dma source(%dma_start3A_39 : memref<128xi32, #tpu.memory_space<hbm>>) target(%arg12 : memref<128xi32, #tpu.memory_space<vmem>>) target_semaphore(%arg22 : memref<!tpu.dma_semaphore, #tpu.memory_space<semaphore_mem>>)
    %eq3A_40 = arith.constant 0 : i32
    %eq3A_41 = arith.cmpi eq, %arg0, %eq3A_40 : i32
    %convert_element_type3A_42 = arith.extui %eq3A_41 : i1 to i32
    %cond3A_43 = arith.constant 0 : i32
    %cond3A_44 = arith.cmpi ne, %convert_element_type3A_42, %cond3A_43 : i32
    scf.if %cond3A_44 {
      %lt3A_73 = arith.constant 15 : i32
      %lt3A_74 = arith.cmpi slt, %arg1, %lt3A_73 : i32
      %convert_element_type3A_75 = arith.extui %lt3A_74 : i1 to i32
      %cond3A_76 = arith.constant 0 : i32
      %cond3A_77 = arith.cmpi ne, %convert_element_type3A_75, %cond3A_76 : i32
      scf.if %cond3A_77 {
        %dma_wait3A = arith.constant 0 : i32
        %dma_wait3A_83 = tpu.memref_slice %arg6[%multiple_of3A, %dma_wait3A] : memref<10240x128xf32, #tpu.memory_space<vmem_shared>> -> memref<312x128xf32, #tpu.memory_space<vmem_shared>>
        %dma_wait3A_84 = arith.constant 0 : i32
        %dma_wait3A_85 = tpu.memref_slice %arg2[%multiple_of3A, %dma_wait3A_84] : memref<10000x128xf32, #tpu.memory_space<hbm>> -> memref<312x128xf32, #tpu.memory_space<hbm>>
        tpu.wait_dma2 semaphore(%arg17 : memref<!tpu.dma_semaphore, #tpu.memory_space<semaphore_mem>>) src(%dma_wait3A_85 : memref<312x128xf32, #tpu.memory_space<hbm>>) dst(%dma_wait3A_83 : memref<312x128xf32, #tpu.memory_space<vmem_shared>>)
        %add3A_86 = arith.constant 312 : i32
        %add3A_87 = arith.addi %multiple_of3A, %add3A_86 : i32
        %add3A_88 = arith.constant 312 : i32
        %add3A_89 = arith.addi %multiple_of3A, %add3A_88 : i32
        %dma_wait3A_90 = arith.constant 0 : i32
        %dma_wait3A_91 = tpu.memref_slice %arg6[%add3A_89, %dma_wait3A_90] : memref<10240x128xf32, #tpu.memory_space<vmem_shared>> -> memref<312x128xf32, #tpu.memory_space<vmem_shared>>
        %dma_wait3A_92 = arith.constant 0 : i32
        %dma_wait3A_93 = tpu.memref_slice %arg2[%add3A_87, %dma_wait3A_92] : memref<10000x128xf32, #tpu.memory_space<hbm>> -> memref<312x128xf32, #tpu.memory_space<hbm>>
        tpu.wait_dma2 semaphore(%arg18 : memref<!tpu.dma_semaphore, #tpu.memory_space<semaphore_mem>>) src(%dma_wait3A_93 : memref<312x128xf32, #tpu.memory_space<hbm>>) dst(%dma_wait3A_91 : memref<312x128xf32, #tpu.memory_space<vmem_shared>>)
      } else {
      }
      %eq3A_78 = arith.constant 15 : i32
      %eq3A_79 = arith.cmpi eq, %arg1, %eq3A_78 : i32
      %convert_element_type3A_80 = arith.extui %eq3A_79 : i1 to i32
      %cond3A_81 = arith.constant 0 : i32
      %cond3A_82 = arith.cmpi ne, %convert_element_type3A_80, %cond3A_81 : i32
      scf.if %cond3A_82 {
        %dma_wait3A = arith.constant 9360 : i32
        %dma_wait3A_83 = arith.constant 0 : i32
        %dma_wait3A_84 = tpu.memref_slice %arg6[%dma_wait3A, %dma_wait3A_83] : memref<10240x128xf32, #tpu.memory_space<vmem_shared>> -> memref<320x128xf32, #tpu.memory_space<vmem_shared>>
        %dma_wait3A_85 = arith.constant 9360 : i32
        %dma_wait3A_86 = arith.constant 0 : i32
        %dma_wait3A_87 = tpu.memref_slice %arg2[%dma_wait3A_85, %dma_wait3A_86] : memref<10000x128xf32, #tpu.memory_space<hbm>> -> memref<320x128xf32, #tpu.memory_space<hbm>>
        tpu.wait_dma2 semaphore(%arg17 : memref<!tpu.dma_semaphore, #tpu.memory_space<semaphore_mem>>) src(%dma_wait3A_87 : memref<320x128xf32, #tpu.memory_space<hbm>>) dst(%dma_wait3A_84 : memref<320x128xf32, #tpu.memory_space<vmem_shared>>)
        %dma_wait3A_88 = arith.constant 9680 : i32
        %dma_wait3A_89 = arith.constant 0 : i32
        %dma_wait3A_90 = tpu.memref_slice %arg6[%dma_wait3A_88, %dma_wait3A_89] : memref<10240x128xf32, #tpu.memory_space<vmem_shared>> -> memref<320x128xf32, #tpu.memory_space<vmem_shared>>
        %dma_wait3A_91 = arith.constant 9680 : i32
        %dma_wait3A_92 = arith.constant 0 : i32
        %dma_wait3A_93 = tpu.memref_slice %arg2[%dma_wait3A_91, %dma_wait3A_92] : memref<10000x128xf32, #tpu.memory_space<hbm>> -> memref<320x128xf32, #tpu.memory_space<hbm>>
        tpu.wait_dma2 semaphore(%arg18 : memref<!tpu.dma_semaphore, #tpu.memory_space<semaphore_mem>>) src(%dma_wait3A_93 : memref<320x128xf32, #tpu.memory_space<hbm>>) dst(%dma_wait3A_90 : memref<320x128xf32, #tpu.memory_space<vmem_shared>>)
      } else {
      }
    } else {
    }
    %ne3A_45 = arith.constant 0 : i32
    %ne3A_46 = arith.cmpi ne, %arg0, %ne3A_45 : i32
    %convert_element_type3A_47 = arith.extui %ne3A_46 : i1 to i32
    %cond3A_48 = arith.constant 0 : i32
    %cond3A_49 = arith.cmpi ne, %convert_element_type3A_47, %cond3A_48 : i32
    scf.if %cond3A_49 {
      %scan3A_73 = arith.constant 0 : i32
      %scan3A_74 = arith.constant 5 : i32
      %scan3A_75 = arith.addi %scan3A_73, %scan3A_74 : i32
      %scan3A_76 = arith.constant 1 : i32
      scf.for %scan3A_78 = %scan3A_73 to %scan3A_75 step %scan3A_76  : i32 {
        %mul3A_79 = arith.constant 1 : i32
        %mul3A_80 = arith.muli %scan3A_78, %mul3A_79 : i32
        %add3A_81 = arith.constant 0 : i32
        %add3A_82 = arith.addi %add3A_81, %mul3A_80 : i32
        %mul3A_83 = arith.constant 5 : i32
        %mul3A_84 = arith.muli %arg1, %mul3A_83 : i32
        %add3A_85 = arith.addi %mul3A_84, %add3A_82 : i32
        %mul3A_86 = arith.constant 128 : i32
        %mul3A_87 = arith.muli %add3A_85, %mul3A_86 : i32
        %dma_wait3A = arith.constant 0 : i32
        %dma_wait3A_88 = tpu.memref_slice %arg6[%mul3A_87, %dma_wait3A] : memref<10240x128xf32, #tpu.memory_space<vmem_shared>> -> memref<128x128xf32, #tpu.memory_space<vmem_shared>>
        %dma_wait3A_89 = arith.constant 0 : i32
        %dma_wait3A_90 = tpu.memref_slice %arg6[%mul3A_87, %dma_wait3A_89] : memref<10240x128xf32, #tpu.memory_space<vmem_shared>> -> memref<128x128xf32, #tpu.memory_space<vmem_shared>>
        tpu.wait_dma2 semaphore(%arg17 : memref<!tpu.dma_semaphore, #tpu.memory_space<semaphore_mem>>) src(%arg13 : memref<128x128xf32, #tpu.memory_space<vmem>>) dst(%dma_wait3A_90 : memref<128x128xf32, #tpu.memory_space<vmem_shared>>)
      }
      %scan3A_77 = arith.constant 5 : i32
    } else {
    }
    %dma_start3A_50 = arith.constant 0 : i32
    %dma_start3A_51 = arith.constant 0 : i32
    %dma_start3A_52 = tpu.memref_slice %arg2[%dma_start3A_50, %dma_start3A_51] : memref<10000x128xf32, #tpu.memory_space<hbm>> -> memref<10000x128xf32, #tpu.memory_space<hbm>>
    tpu.enqueue_indirect_dma source(%dma_start3A_52 : memref<10000x128xf32, #tpu.memory_space<hbm>>) target(%arg13 : memref<128x128xf32, #tpu.memory_space<vmem>>) offsets(%arg7 : memref<128xi32, #tpu.memory_space<vmem>>) semaphore(%arg15 : memref<!tpu.dma_semaphore, #tpu.memory_space<semaphore_mem>>)
    %dma_start3A_53 = arith.constant 0 : i32
    %dma_start3A_54 = arith.constant 0 : i32
    %dma_start3A_55 = tpu.memref_slice %arg2[%dma_start3A_53, %dma_start3A_54] : memref<10000x128xf32, #tpu.memory_space<hbm>> -> memref<10000x128xf32, #tpu.memory_space<hbm>>
    tpu.enqueue_indirect_dma source(%dma_start3A_55 : memref<10000x128xf32, #tpu.memory_space<hbm>>) target(%arg14 : memref<128x128xf32, #tpu.memory_space<vmem>>) offsets(%arg8 : memref<128xi32, #tpu.memory_space<vmem>>) semaphore(%arg16 : memref<!tpu.dma_semaphore, #tpu.memory_space<semaphore_mem>>)
    %barrier3A = arith.constant 0 : index
    tpu.barrier barrier_id(%barrier3A)
    %scan3A = arith.constant 0 : i32
    %scan3A_56 = arith.constant 20 : i32
    %scan3A_57 = arith.addi %scan3A, %scan3A_56 : i32
    %scan3A_58 = arith.constant 1 : i32
    scf.for %scan3A_73 = %scan3A to %scan3A_57 step %scan3A_58  : i32 {
      %mul3A_74 = arith.constant 4 : i32
      %mul3A_75 = arith.muli %scan3A_73, %mul3A_74 : i32
      %add3A_76 = arith.constant 0 : i32
      %add3A_77 = arith.addi %add3A_76, %mul3A_75 : i32
      %add3A_78 = arith.constant 0 : i32
      %add3A_79 = arith.addi %add3A_77, %add3A_78 : i32
      %mul3A_80 = arith.constant 32 : i32
      %mul3A_81 = arith.muli %add3A_79, %mul3A_80 : i32
      %add3A_82 = arith.addi %add3A, %mul3A_81 : i32
      %lt3A_83 = arith.constant 2500 : i32
      %lt3A_84 = arith.cmpi slt, %add3A_82, %lt3A_83 : i32
      %convert_element_type3A_85 = arith.extui %lt3A_84 : i1 to i32
      %cond3A_86 = arith.constant 0 : i32
      %cond3A_87 = arith.cmpi ne, %convert_element_type3A_85, %cond3A_86 : i32
      scf.if %cond3A_87 {
        %add3A_118 = arith.constant 64 : i32
        %add3A_119 = arith.addi %add3A_82, %add3A_118 : i32
        %add3A_120 = arith.constant 128 : i32
        %add3A_121 = arith.addi %add3A_82, %add3A_120 : i32
        %dma_wait3A = arith.constant 0 : i32
        %dma_wait3A_122 = arith.constant 0 : i32
        %dma_wait3A_123 = tpu.memref_slice %arg2[%dma_wait3A, %dma_wait3A_122] : memref<10000x128xf32, #tpu.memory_space<hbm>> -> memref<10000x128xf32, #tpu.memory_space<hbm>>
        tpu.wait_indirect_dma semaphore(%arg15 : memref<!tpu.dma_semaphore, #tpu.memory_space<semaphore_mem>>) src(%dma_wait3A_123 : memref<10000x128xf32, #tpu.memory_space<hbm>>) dst(%arg13 : memref<128x128xf32, #tpu.memory_space<vmem>>)
        %lt3A_124 = arith.constant 2500 : i32
        %lt3A_125 = arith.cmpi slt, %add3A_119, %lt3A_124 : i32
        %convert_element_type3A_126 = arith.extui %lt3A_125 : i1 to i32
        %cond3A_127 = arith.constant 0 : i32
        %cond3A_128 = arith.cmpi ne, %convert_element_type3A_126, %cond3A_127 : i32
        scf.if %cond3A_128 {
          %mul3A_143 = arith.constant 128 : i32
          %mul3A_144 = arith.muli %add3A_119, %mul3A_143 : i32
          %dma_start3A_145 = tpu.memref_slice %arg3[%mul3A_144] : memref<320000xi32, #tpu.memory_space<hbm>> -> memref<128xi32, #tpu.memory_space<hbm>>
          %dma_start3A_146 = tpu.memref_slice %arg3[%mul3A_144] : memref<320000xi32, #tpu.memory_space<hbm>> -> memref<128xi32, #tpu.memory_space<hbm>>
          tpu.enqueue_dma source(%dma_start3A_146 : memref<128xi32, #tpu.memory_space<hbm>>) target(%arg7 : memref<128xi32, #tpu.memory_space<vmem>>) target_semaphore(%arg17 : memref<!tpu.dma_semaphore, #tpu.memory_space<semaphore_mem>>)
        } else {
        }
        %mul3A_129 = arith.constant 128 : i32
        %mul3A_130 = arith.muli %add3A_82, %mul3A_129 : i32
        %dma_wait3A_131 = tpu.memref_slice %arg4[%mul3A_130] : memref<320000xi32, #tpu.memory_space<hbm>> -> memref<128xi32, #tpu.memory_space<hbm>>
        %dma_wait3A_132 = tpu.memref_slice %arg4[%mul3A_130] : memref<320000xi32, #tpu.memory_space<hbm>> -> memref<128xi32, #tpu.memory_space<hbm>>
        tpu.wait_dma2 semaphore(%arg19 : memref<!tpu.dma_semaphore, #tpu.memory_space<semaphore_mem>>) src(%dma_wait3A_132 : memref<128xi32, #tpu.memory_space<hbm>>) dst(%arg9 : memref<128xi32, #tpu.memory_space<vmem>>)
        "tpu.region"() ({
          %run_scoped3A = tpu.sem_alloc : memref<!tpu.dma_semaphore, #tpu.memory_space<semaphore_mem>>
          %dma_start3A_143 = arith.constant 0 : i32
          %dma_start3A_144 = arith.constant 0 : i32
          %dma_start3A_145 = tpu.memref_slice %arg6[%dma_start3A_143, %dma_start3A_144] : memref<10240x128xf32, #tpu.memory_space<vmem_shared>> -> memref<10240x128xf32, #tpu.memory_space<vmem_shared>>
          tpu.enqueue_indirect_dma source(%arg13 : memref<128x128xf32, #tpu.memory_space<vmem>>) target(%dma_start3A_145 : memref<10240x128xf32, #tpu.memory_space<vmem_shared>>) offsets(%arg9 : memref<128xi32, #tpu.memory_space<vmem>>) semaphore(%run_scoped3A : memref<!tpu.dma_semaphore, #tpu.memory_space<semaphore_mem>>) {add = true}
          %dma_wait3A_146 = arith.constant 0 : i32
          %dma_wait3A_147 = arith.constant 0 : i32
          %dma_wait3A_148 = tpu.memref_slice %arg6[%dma_wait3A_146, %dma_wait3A_147] : memref<10240x128xf32, #tpu.memory_space<vmem_shared>> -> memref<10240x128xf32, #tpu.memory_space<vmem_shared>>
          tpu.wait_indirect_dma semaphore(%run_scoped3A : memref<!tpu.dma_semaphore, #tpu.memory_space<semaphore_mem>>) src(%arg13 : memref<128x128xf32, #tpu.memory_space<vmem>>) dst(%dma_wait3A_148 : memref<10240x128xf32, #tpu.memory_space<vmem_shared>>)
          tpu.yield
        }) : () -> ()
        %lt3A_133 = arith.constant 2500 : i32
        %lt3A_134 = arith.cmpi slt, %add3A_119, %lt3A_133 : i32
        %convert_element_type3A_135 = arith.extui %lt3A_134 : i1 to i32
        %cond3A_136 = arith.constant 0 : i32
        %cond3A_137 = arith.cmpi ne, %convert_element_type3A_135, %cond3A_136 : i32
        scf.if %cond3A_137 {
          %mul3A_143 = arith.constant 128 : i32
          %mul3A_144 = arith.muli %add3A_119, %mul3A_143 : i32
          %dma_wait3A_145 = tpu.memref_slice %arg3[%mul3A_144] : memref<320000xi32, #tpu.memory_space<hbm>> -> memref<128xi32, #tpu.memory_space<hbm>>
          %dma_wait3A_146 = tpu.memref_slice %arg3[%mul3A_144] : memref<320000xi32, #tpu.memory_space<hbm>> -> memref<128xi32, #tpu.memory_space<hbm>>
          tpu.wait_dma2 semaphore(%arg17 : memref<!tpu.dma_semaphore, #tpu.memory_space<semaphore_mem>>) src(%dma_wait3A_146 : memref<128xi32, #tpu.memory_space<hbm>>) dst(%arg7 : memref<128xi32, #tpu.memory_space<vmem>>)
          %dma_start3A_147 = arith.constant 0 : i32
          %dma_start3A_148 = arith.constant 0 : i32
          %dma_start3A_149 = tpu.memref_slice %arg2[%dma_start3A_147, %dma_start3A_148] : memref<10000x128xf32, #tpu.memory_space<hbm>> -> memref<10000x128xf32, #tpu.memory_space<hbm>>
          tpu.enqueue_indirect_dma source(%dma_start3A_149 : memref<10000x128xf32, #tpu.memory_space<hbm>>) target(%arg13 : memref<128x128xf32, #tpu.memory_space<vmem>>) offsets(%arg7 : memref<128xi32, #tpu.memory_space<vmem>>) semaphore(%arg15 : memref<!tpu.dma_semaphore, #tpu.memory_space<semaphore_mem>>)
        } else {
        }
        %lt3A_138 = arith.constant 2500 : i32
        %lt3A_139 = arith.cmpi slt, %add3A_121, %lt3A_138 : i32
        %convert_element_type3A_140 = arith.extui %lt3A_139 : i1 to i32
        %cond3A_141 = arith.constant 0 : i32
        %cond3A_142 = arith.cmpi ne, %convert_element_type3A_140, %cond3A_141 : i32
        scf.if %cond3A_142 {
          %mul3A_143 = arith.constant 128 : i32
          %mul3A_144 = arith.muli %add3A_121, %mul3A_143 : i32
          %dma_start3A_145 = tpu.memref_slice %arg4[%mul3A_144] : memref<320000xi32, #tpu.memory_space<hbm>> -> memref<128xi32, #tpu.memory_space<hbm>>
          %dma_start3A_146 = tpu.memref_slice %arg4[%mul3A_144] : memref<320000xi32, #tpu.memory_space<hbm>> -> memref<128xi32, #tpu.memory_space<hbm>>
          tpu.enqueue_dma source(%dma_start3A_146 : memref<128xi32, #tpu.memory_space<hbm>>) target(%arg9 : memref<128xi32, #tpu.memory_space<vmem>>) target_semaphore(%arg19 : memref<!tpu.dma_semaphore, #tpu.memory_space<semaphore_mem>>)
        } else {
        }
      } else {
      }
      %add3A_88 = arith.constant 1 : i32
      %add3A_89 = arith.addi %add3A_77, %add3A_88 : i32
      %mul3A_90 = arith.constant 32 : i32
      %mul3A_91 = arith.muli %add3A_89, %mul3A_90 : i32
      %add3A_92 = arith.addi %add3A, %mul3A_91 : i32
      %lt3A_93 = arith.constant 2500 : i32
      %lt3A_94 = arith.cmpi slt, %add3A_92, %lt3A_93 : i32
      %convert_element_type3A_95 = arith.extui %lt3A_94 : i1 to i32
      %cond3A_96 = arith.constant 0 : i32
      %cond3A_97 = arith.cmpi ne, %convert_element_type3A_95, %cond3A_96 : i32
      scf.if %cond3A_97 {
        %add3A_118 = arith.constant 64 : i32
        %add3A_119 = arith.addi %add3A_92, %add3A_118 : i32
        %add3A_120 = arith.constant 128 : i32
        %add3A_121 = arith.addi %add3A_92, %add3A_120 : i32
        %dma_wait3A = arith.constant 0 : i32
        %dma_wait3A_122 = arith.constant 0 : i32
        %dma_wait3A_123 = tpu.memref_slice %arg2[%dma_wait3A, %dma_wait3A_122] : memref<10000x128xf32, #tpu.memory_space<hbm>> -> memref<10000x128xf32, #tpu.memory_space<hbm>>
        tpu.wait_indirect_dma semaphore(%arg16 : memref<!tpu.dma_semaphore, #tpu.memory_space<semaphore_mem>>) src(%dma_wait3A_123 : memref<10000x128xf32, #tpu.memory_space<hbm>>) dst(%arg14 : memref<128x128xf32, #tpu.memory_space<vmem>>)
        %lt3A_124 = arith.constant 2500 : i32
        %lt3A_125 = arith.cmpi slt, %add3A_119, %lt3A_124 : i32
        %convert_element_type3A_126 = arith.extui %lt3A_125 : i1 to i32
        %cond3A_127 = arith.constant 0 : i32
        %cond3A_128 = arith.cmpi ne, %convert_element_type3A_126, %cond3A_127 : i32
        scf.if %cond3A_128 {
          %mul3A_143 = arith.constant 128 : i32
          %mul3A_144 = arith.muli %add3A_119, %mul3A_143 : i32
          %dma_start3A_145 = tpu.memref_slice %arg3[%mul3A_144] : memref<320000xi32, #tpu.memory_space<hbm>> -> memref<128xi32, #tpu.memory_space<hbm>>
          %dma_start3A_146 = tpu.memref_slice %arg3[%mul3A_144] : memref<320000xi32, #tpu.memory_space<hbm>> -> memref<128xi32, #tpu.memory_space<hbm>>
          tpu.enqueue_dma source(%dma_start3A_146 : memref<128xi32, #tpu.memory_space<hbm>>) target(%arg8 : memref<128xi32, #tpu.memory_space<vmem>>) target_semaphore(%arg18 : memref<!tpu.dma_semaphore, #tpu.memory_space<semaphore_mem>>)
        } else {
        }
        %mul3A_129 = arith.constant 128 : i32
        %mul3A_130 = arith.muli %add3A_92, %mul3A_129 : i32
        %dma_wait3A_131 = tpu.memref_slice %arg4[%mul3A_130] : memref<320000xi32, #tpu.memory_space<hbm>> -> memref<128xi32, #tpu.memory_space<hbm>>
        %dma_wait3A_132 = tpu.memref_slice %arg4[%mul3A_130] : memref<320000xi32, #tpu.memory_space<hbm>> -> memref<128xi32, #tpu.memory_space<hbm>>
        tpu.wait_dma2 semaphore(%arg20 : memref<!tpu.dma_semaphore, #tpu.memory_space<semaphore_mem>>) src(%dma_wait3A_132 : memref<128xi32, #tpu.memory_space<hbm>>) dst(%arg10 : memref<128xi32, #tpu.memory_space<vmem>>)
        "tpu.region"() ({
          %run_scoped3A = tpu.sem_alloc : memref<!tpu.dma_semaphore, #tpu.memory_space<semaphore_mem>>
          %dma_start3A_143 = arith.constant 0 : i32
          %dma_start3A_144 = arith.constant 0 : i32
          %dma_start3A_145 = tpu.memref_slice %arg6[%dma_start3A_143, %dma_start3A_144] : memref<10240x128xf32, #tpu.memory_space<vmem_shared>> -> memref<10240x128xf32, #tpu.memory_space<vmem_shared>>
          tpu.enqueue_indirect_dma source(%arg14 : memref<128x128xf32, #tpu.memory_space<vmem>>) target(%dma_start3A_145 : memref<10240x128xf32, #tpu.memory_space<vmem_shared>>) offsets(%arg10 : memref<128xi32, #tpu.memory_space<vmem>>) semaphore(%run_scoped3A : memref<!tpu.dma_semaphore, #tpu.memory_space<semaphore_mem>>) {add = true}
          %dma_wait3A_146 = arith.constant 0 : i32
          %dma_wait3A_147 = arith.constant 0 : i32
          %dma_wait3A_148 = tpu.memref_slice %arg6[%dma_wait3A_146, %dma_wait3A_147] : memref<10240x128xf32, #tpu.memory_space<vmem_shared>> -> memref<10240x128xf32, #tpu.memory_space<vmem_shared>>
          tpu.wait_indirect_dma semaphore(%run_scoped3A : memref<!tpu.dma_semaphore, #tpu.memory_space<semaphore_mem>>) src(%arg14 : memref<128x128xf32, #tpu.memory_space<vmem>>) dst(%dma_wait3A_148 : memref<10240x128xf32, #tpu.memory_space<vmem_shared>>)
          tpu.yield
        }) : () -> ()
        %lt3A_133 = arith.constant 2500 : i32
        %lt3A_134 = arith.cmpi slt, %add3A_119, %lt3A_133 : i32
        %convert_element_type3A_135 = arith.extui %lt3A_134 : i1 to i32
        %cond3A_136 = arith.constant 0 : i32
        %cond3A_137 = arith.cmpi ne, %convert_element_type3A_135, %cond3A_136 : i32
        scf.if %cond3A_137 {
          %mul3A_143 = arith.constant 128 : i32
          %mul3A_144 = arith.muli %add3A_119, %mul3A_143 : i32
          %dma_wait3A_145 = tpu.memref_slice %arg3[%mul3A_144] : memref<320000xi32, #tpu.memory_space<hbm>> -> memref<128xi32, #tpu.memory_space<hbm>>
          %dma_wait3A_146 = tpu.memref_slice %arg3[%mul3A_144] : memref<320000xi32, #tpu.memory_space<hbm>> -> memref<128xi32, #tpu.memory_space<hbm>>
          tpu.wait_dma2 semaphore(%arg18 : memref<!tpu.dma_semaphore, #tpu.memory_space<semaphore_mem>>) src(%dma_wait3A_146 : memref<128xi32, #tpu.memory_space<hbm>>) dst(%arg8 : memref<128xi32, #tpu.memory_space<vmem>>)
          %dma_start3A_147 = arith.constant 0 : i32
          %dma_start3A_148 = arith.constant 0 : i32
          %dma_start3A_149 = tpu.memref_slice %arg2[%dma_start3A_147, %dma_start3A_148] : memref<10000x128xf32, #tpu.memory_space<hbm>> -> memref<10000x128xf32, #tpu.memory_space<hbm>>
          tpu.enqueue_indirect_dma source(%dma_start3A_149 : memref<10000x128xf32, #tpu.memory_space<hbm>>) target(%arg14 : memref<128x128xf32, #tpu.memory_space<vmem>>) offsets(%arg8 : memref<128xi32, #tpu.memory_space<vmem>>) semaphore(%arg16 : memref<!tpu.dma_semaphore, #tpu.memory_space<semaphore_mem>>)
        } else {
        }
        %lt3A_138 = arith.constant 2500 : i32
        %lt3A_139 = arith.cmpi slt, %add3A_121, %lt3A_138 : i32
        %convert_element_type3A_140 = arith.extui %lt3A_139 : i1 to i32
        %cond3A_141 = arith.constant 0 : i32
        %cond3A_142 = arith.cmpi ne, %convert_element_type3A_140, %cond3A_141 : i32
        scf.if %cond3A_142 {
          %mul3A_143 = arith.constant 128 : i32
          %mul3A_144 = arith.muli %add3A_121, %mul3A_143 : i32
          %dma_start3A_145 = tpu.memref_slice %arg4[%mul3A_144] : memref<320000xi32, #tpu.memory_space<hbm>> -> memref<128xi32, #tpu.memory_space<hbm>>
          %dma_start3A_146 = tpu.memref_slice %arg4[%mul3A_144] : memref<320000xi32, #tpu.memory_space<hbm>> -> memref<128xi32, #tpu.memory_space<hbm>>
          tpu.enqueue_dma source(%dma_start3A_146 : memref<128xi32, #tpu.memory_space<hbm>>) target(%arg10 : memref<128xi32, #tpu.memory_space<vmem>>) target_semaphore(%arg20 : memref<!tpu.dma_semaphore, #tpu.memory_space<semaphore_mem>>)
        } else {
        }
      } else {
      }
      %add3A_98 = arith.constant 2 : i32
      %add3A_99 = arith.addi %add3A_77, %add3A_98 : i32
      %mul3A_100 = arith.constant 32 : i32
      %mul3A_101 = arith.muli %add3A_99, %mul3A_100 : i32
      %add3A_102 = arith.addi %add3A, %mul3A_101 : i32
      %lt3A_103 = arith.constant 2500 : i32
      %lt3A_104 = arith.cmpi slt, %add3A_102, %lt3A_103 : i32
      %convert_element_type3A_105 = arith.extui %lt3A_104 : i1 to i32
      %cond3A_106 = arith.constant 0 : i32
      %cond3A_107 = arith.cmpi ne, %convert_element_type3A_105, %cond3A_106 : i32
      scf.if %cond3A_107 {
        %add3A_118 = arith.constant 64 : i32
        %add3A_119 = arith.addi %add3A_102, %add3A_118 : i32
        %add3A_120 = arith.constant 128 : i32
        %add3A_121 = arith.addi %add3A_102, %add3A_120 : i32
        %dma_wait3A = arith.constant 0 : i32
        %dma_wait3A_122 = arith.constant 0 : i32
        %dma_wait3A_123 = tpu.memref_slice %arg2[%dma_wait3A, %dma_wait3A_122] : memref<10000x128xf32, #tpu.memory_space<hbm>> -> memref<10000x128xf32, #tpu.memory_space<hbm>>
        tpu.wait_indirect_dma semaphore(%arg15 : memref<!tpu.dma_semaphore, #tpu.memory_space<semaphore_mem>>) src(%dma_wait3A_123 : memref<10000x128xf32, #tpu.memory_space<hbm>>) dst(%arg13 : memref<128x128xf32, #tpu.memory_space<vmem>>)
        %lt3A_124 = arith.constant 2500 : i32
        %lt3A_125 = arith.cmpi slt, %add3A_119, %lt3A_124 : i32
        %convert_element_type3A_126 = arith.extui %lt3A_125 : i1 to i32
        %cond3A_127 = arith.constant 0 : i32
        %cond3A_128 = arith.cmpi ne, %convert_element_type3A_126, %cond3A_127 : i32
        scf.if %cond3A_128 {
          %mul3A_143 = arith.constant 128 : i32
          %mul3A_144 = arith.muli %add3A_119, %mul3A_143 : i32
          %dma_start3A_145 = tpu.memref_slice %arg3[%mul3A_144] : memref<320000xi32, #tpu.memory_space<hbm>> -> memref<128xi32, #tpu.memory_space<hbm>>
          %dma_start3A_146 = tpu.memref_slice %arg3[%mul3A_144] : memref<320000xi32, #tpu.memory_space<hbm>> -> memref<128xi32, #tpu.memory_space<hbm>>
          tpu.enqueue_dma source(%dma_start3A_146 : memref<128xi32, #tpu.memory_space<hbm>>) target(%arg7 : memref<128xi32, #tpu.memory_space<vmem>>) target_semaphore(%arg17 : memref<!tpu.dma_semaphore, #tpu.memory_space<semaphore_mem>>)
        } else {
        }
        %mul3A_129 = arith.constant 128 : i32
        %mul3A_130 = arith.muli %add3A_102, %mul3A_129 : i32
        %dma_wait3A_131 = tpu.memref_slice %arg4[%mul3A_130] : memref<320000xi32, #tpu.memory_space<hbm>> -> memref<128xi32, #tpu.memory_space<hbm>>
        %dma_wait3A_132 = tpu.memref_slice %arg4[%mul3A_130] : memref<320000xi32, #tpu.memory_space<hbm>> -> memref<128xi32, #tpu.memory_space<hbm>>
        tpu.wait_dma2 semaphore(%arg21 : memref<!tpu.dma_semaphore, #tpu.memory_space<semaphore_mem>>) src(%dma_wait3A_132 : memref<128xi32, #tpu.memory_space<hbm>>) dst(%arg11 : memref<128xi32, #tpu.memory_space<vmem>>)
        "tpu.region"() ({
          %run_scoped3A = tpu.sem_alloc : memref<!tpu.dma_semaphore, #tpu.memory_space<semaphore_mem>>
          %dma_start3A_143 = arith.constant 0 : i32
          %dma_start3A_144 = arith.constant 0 : i32
          %dma_start3A_145 = tpu.memref_slice %arg6[%dma_start3A_143, %dma_start3A_144] : memref<10240x128xf32, #tpu.memory_space<vmem_shared>> -> memref<10240x128xf32, #tpu.memory_space<vmem_shared>>
          tpu.enqueue_indirect_dma source(%arg13 : memref<128x128xf32, #tpu.memory_space<vmem>>) target(%dma_start3A_145 : memref<10240x128xf32, #tpu.memory_space<vmem_shared>>) offsets(%arg11 : memref<128xi32, #tpu.memory_space<vmem>>) semaphore(%run_scoped3A : memref<!tpu.dma_semaphore, #tpu.memory_space<semaphore_mem>>) {add = true}
          %dma_wait3A_146 = arith.constant 0 : i32
          %dma_wait3A_147 = arith.constant 0 : i32
          %dma_wait3A_148 = tpu.memref_slice %arg6[%dma_wait3A_146, %dma_wait3A_147] : memref<10240x128xf32, #tpu.memory_space<vmem_shared>> -> memref<10240x128xf32, #tpu.memory_space<vmem_shared>>
          tpu.wait_indirect_dma semaphore(%run_scoped3A : memref<!tpu.dma_semaphore, #tpu.memory_space<semaphore_mem>>) src(%arg13 : memref<128x128xf32, #tpu.memory_space<vmem>>) dst(%dma_wait3A_148 : memref<10240x128xf32, #tpu.memory_space<vmem_shared>>)
          tpu.yield
        }) : () -> ()
        %lt3A_133 = arith.constant 2500 : i32
        %lt3A_134 = arith.cmpi slt, %add3A_119, %lt3A_133 : i32
        %convert_element_type3A_135 = arith.extui %lt3A_134 : i1 to i32
        %cond3A_136 = arith.constant 0 : i32
        %cond3A_137 = arith.cmpi ne, %convert_element_type3A_135, %cond3A_136 : i32
        scf.if %cond3A_137 {
          %mul3A_143 = arith.constant 128 : i32
          %mul3A_144 = arith.muli %add3A_119, %mul3A_143 : i32
          %dma_wait3A_145 = tpu.memref_slice %arg3[%mul3A_144] : memref<320000xi32, #tpu.memory_space<hbm>> -> memref<128xi32, #tpu.memory_space<hbm>>
          %dma_wait3A_146 = tpu.memref_slice %arg3[%mul3A_144] : memref<320000xi32, #tpu.memory_space<hbm>> -> memref<128xi32, #tpu.memory_space<hbm>>
          tpu.wait_dma2 semaphore(%arg17 : memref<!tpu.dma_semaphore, #tpu.memory_space<semaphore_mem>>) src(%dma_wait3A_146 : memref<128xi32, #tpu.memory_space<hbm>>) dst(%arg7 : memref<128xi32, #tpu.memory_space<vmem>>)
          %dma_start3A_147 = arith.constant 0 : i32
          %dma_start3A_148 = arith.constant 0 : i32
          %dma_start3A_149 = tpu.memref_slice %arg2[%dma_start3A_147, %dma_start3A_148] : memref<10000x128xf32, #tpu.memory_space<hbm>> -> memref<10000x128xf32, #tpu.memory_space<hbm>>
          tpu.enqueue_indirect_dma source(%dma_start3A_149 : memref<10000x128xf32, #tpu.memory_space<hbm>>) target(%arg13 : memref<128x128xf32, #tpu.memory_space<vmem>>) offsets(%arg7 : memref<128xi32, #tpu.memory_space<vmem>>) semaphore(%arg15 : memref<!tpu.dma_semaphore, #tpu.memory_space<semaphore_mem>>)
        } else {
        }
        %lt3A_138 = arith.constant 2500 : i32
        %lt3A_139 = arith.cmpi slt, %add3A_121, %lt3A_138 : i32
        %convert_element_type3A_140 = arith.extui %lt3A_139 : i1 to i32
        %cond3A_141 = arith.constant 0 : i32
        %cond3A_142 = arith.cmpi ne, %convert_element_type3A_140, %cond3A_141 : i32
        scf.if %cond3A_142 {
          %mul3A_143 = arith.constant 128 : i32
          %mul3A_144 = arith.muli %add3A_121, %mul3A_143 : i32
          %dma_start3A_145 = tpu.memref_slice %arg4[%mul3A_144] : memref<320000xi32, #tpu.memory_space<hbm>> -> memref<128xi32, #tpu.memory_space<hbm>>
          %dma_start3A_146 = tpu.memref_slice %arg4[%mul3A_144] : memref<320000xi32, #tpu.memory_space<hbm>> -> memref<128xi32, #tpu.memory_space<hbm>>
          tpu.enqueue_dma source(%dma_start3A_146 : memref<128xi32, #tpu.memory_space<hbm>>) target(%arg11 : memref<128xi32, #tpu.memory_space<vmem>>) target_semaphore(%arg21 : memref<!tpu.dma_semaphore, #tpu.memory_space<semaphore_mem>>)
        } else {
        }
      } else {
      }
      %add3A_108 = arith.constant 3 : i32
      %add3A_109 = arith.addi %add3A_77, %add3A_108 : i32
      %mul3A_110 = arith.constant 32 : i32
      %mul3A_111 = arith.muli %add3A_109, %mul3A_110 : i32
      %add3A_112 = arith.addi %add3A, %mul3A_111 : i32
      %lt3A_113 = arith.constant 2500 : i32
      %lt3A_114 = arith.cmpi slt, %add3A_112, %lt3A_113 : i32
      %convert_element_type3A_115 = arith.extui %lt3A_114 : i1 to i32
      %cond3A_116 = arith.constant 0 : i32
      %cond3A_117 = arith.cmpi ne, %convert_element_type3A_115, %cond3A_116 : i32
      scf.if %cond3A_117 {
        %add3A_118 = arith.constant 64 : i32
        %add3A_119 = arith.addi %add3A_112, %add3A_118 : i32
        %add3A_120 = arith.constant 128 : i32
        %add3A_121 = arith.addi %add3A_112, %add3A_120 : i32
        %dma_wait3A = arith.constant 0 : i32
        %dma_wait3A_122 = arith.constant 0 : i32
        %dma_wait3A_123 = tpu.memref_slice %arg2[%dma_wait3A, %dma_wait3A_122] : memref<10000x128xf32, #tpu.memory_space<hbm>> -> memref<10000x128xf32, #tpu.memory_space<hbm>>
        tpu.wait_indirect_dma semaphore(%arg16 : memref<!tpu.dma_semaphore, #tpu.memory_space<semaphore_mem>>) src(%dma_wait3A_123 : memref<10000x128xf32, #tpu.memory_space<hbm>>) dst(%arg14 : memref<128x128xf32, #tpu.memory_space<vmem>>)
        %lt3A_124 = arith.constant 2500 : i32
        %lt3A_125 = arith.cmpi slt, %add3A_119, %lt3A_124 : i32
        %convert_element_type3A_126 = arith.extui %lt3A_125 : i1 to i32
        %cond3A_127 = arith.constant 0 : i32
        %cond3A_128 = arith.cmpi ne, %convert_element_type3A_126, %cond3A_127 : i32
        scf.if %cond3A_128 {
          %mul3A_143 = arith.constant 128 : i32
          %mul3A_144 = arith.muli %add3A_119, %mul3A_143 : i32
          %dma_start3A_145 = tpu.memref_slice %arg3[%mul3A_144] : memref<320000xi32, #tpu.memory_space<hbm>> -> memref<128xi32, #tpu.memory_space<hbm>>
          %dma_start3A_146 = tpu.memref_slice %arg3[%mul3A_144] : memref<320000xi32, #tpu.memory_space<hbm>> -> memref<128xi32, #tpu.memory_space<hbm>>
          tpu.enqueue_dma source(%dma_start3A_146 : memref<128xi32, #tpu.memory_space<hbm>>) target(%arg8 : memref<128xi32, #tpu.memory_space<vmem>>) target_semaphore(%arg18 : memref<!tpu.dma_semaphore, #tpu.memory_space<semaphore_mem>>)
        } else {
        }
        %mul3A_129 = arith.constant 128 : i32
        %mul3A_130 = arith.muli %add3A_112, %mul3A_129 : i32
        %dma_wait3A_131 = tpu.memref_slice %arg4[%mul3A_130] : memref<320000xi32, #tpu.memory_space<hbm>> -> memref<128xi32, #tpu.memory_space<hbm>>
        %dma_wait3A_132 = tpu.memref_slice %arg4[%mul3A_130] : memref<320000xi32, #tpu.memory_space<hbm>> -> memref<128xi32, #tpu.memory_space<hbm>>
        tpu.wait_dma2 semaphore(%arg22 : memref<!tpu.dma_semaphore, #tpu.memory_space<semaphore_mem>>) src(%dma_wait3A_132 : memref<128xi32, #tpu.memory_space<hbm>>) dst(%arg12 : memref<128xi32, #tpu.memory_space<vmem>>)
        "tpu.region"() ({
          %run_scoped3A = tpu.sem_alloc : memref<!tpu.dma_semaphore, #tpu.memory_space<semaphore_mem>>
          %dma_start3A_143 = arith.constant 0 : i32
          %dma_start3A_144 = arith.constant 0 : i32
          %dma_start3A_145 = tpu.memref_slice %arg6[%dma_start3A_143, %dma_start3A_144] : memref<10240x128xf32, #tpu.memory_space<vmem_shared>> -> memref<10240x128xf32, #tpu.memory_space<vmem_shared>>
          tpu.enqueue_indirect_dma source(%arg14 : memref<128x128xf32, #tpu.memory_space<vmem>>) target(%dma_start3A_145 : memref<10240x128xf32, #tpu.memory_space<vmem_shared>>) offsets(%arg12 : memref<128xi32, #tpu.memory_space<vmem>>) semaphore(%run_scoped3A : memref<!tpu.dma_semaphore, #tpu.memory_space<semaphore_mem>>) {add = true}
          %dma_wait3A_146 = arith.constant 0 : i32
          %dma_wait3A_147 = arith.constant 0 : i32
          %dma_wait3A_148 = tpu.memref_slice %arg6[%dma_wait3A_146, %dma_wait3A_147] : memref<10240x128xf32, #tpu.memory_space<vmem_shared>> -> memref<10240x128xf32, #tpu.memory_space<vmem_shared>>
          tpu.wait_indirect_dma semaphore(%run_scoped3A : memref<!tpu.dma_semaphore, #tpu.memory_space<semaphore_mem>>) src(%arg14 : memref<128x128xf32, #tpu.memory_space<vmem>>) dst(%dma_wait3A_148 : memref<10240x128xf32, #tpu.memory_space<vmem_shared>>)
          tpu.yield
        }) : () -> ()
        %lt3A_133 = arith.constant 2500 : i32
        %lt3A_134 = arith.cmpi slt, %add3A_119, %lt3A_133 : i32
        %convert_element_type3A_135 = arith.extui %lt3A_134 : i1 to i32
        %cond3A_136 = arith.constant 0 : i32
        %cond3A_137 = arith.cmpi ne, %convert_element_type3A_135, %cond3A_136 : i32
        scf.if %cond3A_137 {
          %mul3A_143 = arith.constant 128 : i32
          %mul3A_144 = arith.muli %add3A_119, %mul3A_143 : i32
          %dma_wait3A_145 = tpu.memref_slice %arg3[%mul3A_144] : memref<320000xi32, #tpu.memory_space<hbm>> -> memref<128xi32, #tpu.memory_space<hbm>>
          %dma_wait3A_146 = tpu.memref_slice %arg3[%mul3A_144] : memref<320000xi32, #tpu.memory_space<hbm>> -> memref<128xi32, #tpu.memory_space<hbm>>
          tpu.wait_dma2 semaphore(%arg18 : memref<!tpu.dma_semaphore, #tpu.memory_space<semaphore_mem>>) src(%dma_wait3A_146 : memref<128xi32, #tpu.memory_space<hbm>>) dst(%arg8 : memref<128xi32, #tpu.memory_space<vmem>>)
          %dma_start3A_147 = arith.constant 0 : i32
          %dma_start3A_148 = arith.constant 0 : i32
          %dma_start3A_149 = tpu.memref_slice %arg2[%dma_start3A_147, %dma_start3A_148] : memref<10000x128xf32, #tpu.memory_space<hbm>> -> memref<10000x128xf32, #tpu.memory_space<hbm>>
          tpu.enqueue_indirect_dma source(%dma_start3A_149 : memref<10000x128xf32, #tpu.memory_space<hbm>>) target(%arg14 : memref<128x128xf32, #tpu.memory_space<vmem>>) offsets(%arg8 : memref<128xi32, #tpu.memory_space<vmem>>) semaphore(%arg16 : memref<!tpu.dma_semaphore, #tpu.memory_space<semaphore_mem>>)
        } else {
        }
        %lt3A_138 = arith.constant 2500 : i32
        %lt3A_139 = arith.cmpi slt, %add3A_121, %lt3A_138 : i32
        %convert_element_type3A_140 = arith.extui %lt3A_139 : i1 to i32
        %cond3A_141 = arith.constant 0 : i32
        %cond3A_142 = arith.cmpi ne, %convert_element_type3A_140, %cond3A_141 : i32
        scf.if %cond3A_142 {
          %mul3A_143 = arith.constant 128 : i32
          %mul3A_144 = arith.muli %add3A_121, %mul3A_143 : i32
          %dma_start3A_145 = tpu.memref_slice %arg4[%mul3A_144] : memref<320000xi32, #tpu.memory_space<hbm>> -> memref<128xi32, #tpu.memory_space<hbm>>
          %dma_start3A_146 = tpu.memref_slice %arg4[%mul3A_144] : memref<320000xi32, #tpu.memory_space<hbm>> -> memref<128xi32, #tpu.memory_space<hbm>>
          tpu.enqueue_dma source(%dma_start3A_146 : memref<128xi32, #tpu.memory_space<hbm>>) target(%arg12 : memref<128xi32, #tpu.memory_space<vmem>>) target_semaphore(%arg22 : memref<!tpu.dma_semaphore, #tpu.memory_space<semaphore_mem>>)
        } else {
        }
      } else {
      }
    }
    %scan3A_59 = arith.constant 20 : i32
    %barrier3A_60 = arith.constant 0 : index
    tpu.barrier barrier_id(%barrier3A_60)
    %mul3A_61 = arith.constant 624 : i32
    %mul3A_62 = arith.muli %arg1, %mul3A_61 : i32
    %multiple_of3A_63 = tpu.assume_multiple %mul3A_62, 8 : i32
    %lt3A = arith.constant 15 : i32
    %lt3A_64 = arith.cmpi slt, %arg1, %lt3A : i32
    %convert_element_type3A_65 = arith.extui %lt3A_64 : i1 to i32
    %cond3A_66 = arith.constant 0 : i32
    %cond3A_67 = arith.cmpi ne, %convert_element_type3A_65, %cond3A_66 : i32
    scf.if %cond3A_67 {
      "tpu.region"() ({
        %run_scoped3A = tpu.sem_alloc : memref<!tpu.dma_semaphore, #tpu.memory_space<semaphore_mem>>
        %dma_start3A_73 = arith.constant 0 : i32
        %dma_start3A_74 = arith.constant 0 : i32
        %dma_start3A_75 = tpu.memref_slice %arg5[%arg0, %dma_start3A_73, %dma_start3A_74] : memref<2x10000x128xf32, #tpu.memory_space<hbm>> -> memref<1x10000x128xf32, #tpu.memory_space<hbm>>
        %dma_start3A_76 = tpu.memref_squeeze %dma_start3A_75 : memref<1x10000x128xf32, #tpu.memory_space<hbm>> -> memref<10000x128xf32, #tpu.memory_space<hbm>>
        %dma_start3A_77 = arith.constant 0 : i32
        %dma_start3A_78 = tpu.memref_slice %dma_start3A_76[%multiple_of3A_63, %dma_start3A_77] : memref<10000x128xf32, #tpu.memory_space<hbm>> -> memref<624x128xf32, #tpu.memory_space<hbm>>
        %dma_start3A_79 = arith.constant 0 : i32
        %dma_start3A_80 = tpu.memref_slice %arg6[%multiple_of3A_63, %dma_start3A_79] : memref<10240x128xf32, #tpu.memory_space<vmem_shared>> -> memref<624x128xf32, #tpu.memory_space<vmem_shared>>
        tpu.enqueue_dma source(%dma_start3A_80 : memref<624x128xf32, #tpu.memory_space<vmem_shared>>) target(%dma_start3A_78 : memref<624x128xf32, #tpu.memory_space<hbm>>) target_semaphore(%run_scoped3A : memref<!tpu.dma_semaphore, #tpu.memory_space<semaphore_mem>>)
        %dma_wait3A = arith.constant 0 : i32
        %dma_wait3A_81 = arith.constant 0 : i32
        %dma_wait3A_82 = tpu.memref_slice %arg5[%arg0, %dma_wait3A, %dma_wait3A_81] : memref<2x10000x128xf32, #tpu.memory_space<hbm>> -> memref<1x10000x128xf32, #tpu.memory_space<hbm>>
        %dma_wait3A_83 = tpu.memref_squeeze %dma_wait3A_82 : memref<1x10000x128xf32, #tpu.memory_space<hbm>> -> memref<10000x128xf32, #tpu.memory_space<hbm>>
        %dma_wait3A_84 = arith.constant 0 : i32
        %dma_wait3A_85 = tpu.memref_slice %dma_wait3A_83[%multiple_of3A_63, %dma_wait3A_84] : memref<10000x128xf32, #tpu.memory_space<hbm>> -> memref<624x128xf32, #tpu.memory_space<hbm>>
        %dma_wait3A_86 = arith.constant 0 : i32
        %dma_wait3A_87 = tpu.memref_slice %arg6[%multiple_of3A_63, %dma_wait3A_86] : memref<10240x128xf32, #tpu.memory_space<vmem_shared>> -> memref<624x128xf32, #tpu.memory_space<vmem_shared>>
        tpu.wait_dma2 semaphore(%run_scoped3A : memref<!tpu.dma_semaphore, #tpu.memory_space<semaphore_mem>>) src(%dma_wait3A_87 : memref<624x128xf32, #tpu.memory_space<vmem_shared>>) dst(%dma_wait3A_85 : memref<624x128xf32, #tpu.memory_space<hbm>>)
        tpu.yield
      }) : () -> ()
    } else {
    }
    %eq3A_68 = arith.constant 15 : i32
    %eq3A_69 = arith.cmpi eq, %arg1, %eq3A_68 : i32
    %convert_element_type3A_70 = arith.extui %eq3A_69 : i1 to i32
    %cond3A_71 = arith.constant 0 : i32
    %cond3A_72 = arith.cmpi ne, %convert_element_type3A_70, %cond3A_71 : i32
    scf.if %cond3A_72 {
      "tpu.region"() ({
        %run_scoped3A = tpu.sem_alloc : memref<!tpu.dma_semaphore, #tpu.memory_space<semaphore_mem>>
        %dma_start3A_73 = arith.constant 0 : i32
        %dma_start3A_74 = arith.constant 0 : i32
        %dma_start3A_75 = tpu.memref_slice %arg5[%arg0, %dma_start3A_73, %dma_start3A_74] : memref<2x10000x128xf32, #tpu.memory_space<hbm>> -> memref<1x10000x128xf32, #tpu.memory_space<hbm>>
        %dma_start3A_76 = tpu.memref_squeeze %dma_start3A_75 : memref<1x10000x128xf32, #tpu.memory_space<hbm>> -> memref<10000x128xf32, #tpu.memory_space<hbm>>
        %dma_start3A_77 = arith.constant 9360 : i32
        %dma_start3A_78 = arith.constant 0 : i32
        %dma_start3A_79 = tpu.memref_slice %dma_start3A_76[%dma_start3A_77, %dma_start3A_78] : memref<10000x128xf32, #tpu.memory_space<hbm>> -> memref<640x128xf32, #tpu.memory_space<hbm>>
        %dma_start3A_80 = arith.constant 9360 : i32
        %dma_start3A_81 = arith.constant 0 : i32
        %dma_start3A_82 = tpu.memref_slice %arg6[%dma_start3A_80, %dma_start3A_81] : memref<10240x128xf32, #tpu.memory_space<vmem_shared>> -> memref<640x128xf32, #tpu.memory_space<vmem_shared>>
        tpu.enqueue_dma source(%dma_start3A_82 : memref<640x128xf32, #tpu.memory_space<vmem_shared>>) target(%dma_start3A_79 : memref<640x128xf32, #tpu.memory_space<hbm>>) target_semaphore(%run_scoped3A : memref<!tpu.dma_semaphore, #tpu.memory_space<semaphore_mem>>)
        %dma_wait3A = arith.constant 0 : i32
        %dma_wait3A_83 = arith.constant 0 : i32
        %dma_wait3A_84 = tpu.memref_slice %arg5[%arg0, %dma_wait3A, %dma_wait3A_83] : memref<2x10000x128xf32, #tpu.memory_space<hbm>> -> memref<1x10000x128xf32, #tpu.memory_space<hbm>>
        %dma_wait3A_85 = tpu.memref_squeeze %dma_wait3A_84 : memref<1x10000x128xf32, #tpu.memory_space<hbm>> -> memref<10000x128xf32, #tpu.memory_space<hbm>>
        %dma_wait3A_86 = arith.constant 9360 : i32
        %dma_wait3A_87 = arith.constant 0 : i32
        %dma_wait3A_88 = tpu.memref_slice %dma_wait3A_85[%dma_wait3A_86, %dma_wait3A_87] : memref<10000x128xf32, #tpu.memory_space<hbm>> -> memref<640x128xf32, #tpu.memory_space<hbm>>
        %dma_wait3A_89 = arith.constant 9360 : i32
        %dma_wait3A_90 = arith.constant 0 : i32
        %dma_wait3A_91 = tpu.memref_slice %arg6[%dma_wait3A_89, %dma_wait3A_90] : memref<10240x128xf32, #tpu.memory_space<vmem_shared>> -> memref<640x128xf32, #tpu.memory_space<vmem_shared>>
        tpu.wait_dma2 semaphore(%run_scoped3A : memref<!tpu.dma_semaphore, #tpu.memory_space<semaphore_mem>>) src(%dma_wait3A_91 : memref<640x128xf32, #tpu.memory_space<vmem_shared>>) dst(%dma_wait3A_88 : memref<640x128xf32, #tpu.memory_space<hbm>>)
        tpu.yield
      }) : () -> ()
    } else {
    }
    return
  }
}

module attributes {stable_mosaic.version = 14 : i64} {
  func.func @mm_kernel(%arg0: i32, %arg1: memref<2x2000x128xf32, #tpu.memory_space<vmem>>, %arg2: memref<128x128xf32, #tpu.memory_space<vmem>>, %arg3: memref<1x128xf32, #tpu.memory_space<vmem>>, %arg4: memref<2000x128xf32, #tpu.memory_space<vmem>>) attributes {dimension_semantics = [#tpu.dimension_semantics<arbitrary>], iteration_bounds = array<i64: 5>, scalar_prefetch = 0 : i64, scratch_operands = 0 : i64, tpu.core_type = #tpu.core_type<tc>, window_params = [{transform_indices = @transform_0, window_bounds = array<i64: 2, 2000, 128>}, {pipeline_mode = #tpu.pipeline_mode<synchronous>, transform_indices = @transform_1, window_bounds = array<i64: 128, 128>}, {pipeline_mode = #tpu.pipeline_mode<synchronous>, transform_indices = @transform_2, window_bounds = array<i64: 1, 128>}, {transform_indices = @transform_3, window_bounds = array<i64: 2000, 128>}]} {
    %get3A = arith.constant 0 : index
    %get3A_0 = arith.constant 0 : index
    %get3A_1 = arith.constant 0 : index
    %get3A_2 = vector.load %arg1[%get3A, %get3A_0, %get3A_1] : memref<2x2000x128xf32, #tpu.memory_space<vmem>>, vector<1x2000x128xf32>
    %get3A_3 = vector.shape_cast %get3A_2 : vector<1x2000x128xf32> to vector<2000x128xf32>
    %get3A_4 = arith.constant 1 : index
    %get3A_5 = arith.constant 0 : index
    %get3A_6 = arith.constant 0 : index
    %get3A_7 = vector.load %arg1[%get3A_4, %get3A_5, %get3A_6] : memref<2x2000x128xf32, #tpu.memory_space<vmem>>, vector<1x2000x128xf32>
    %get3A_8 = vector.shape_cast %get3A_7 : vector<1x2000x128xf32> to vector<2000x128xf32>
    %add3A = arith.addf %get3A_3, %get3A_8 : vector<2000x128xf32>
    %get3A_9 = arith.constant 0 : index
    %get3A_10 = arith.constant 0 : index
    %get3A_11 = vector.load %arg2[%get3A_9, %get3A_10] : memref<128x128xf32, #tpu.memory_space<vmem>>, vector<128x128xf32>
    %dot_general3A = arith.constant dense<0.000000e+00> : vector<2000x128xf32>
    %dot_general3A_12 = tpu.matmul %add3A, %get3A_11, %dot_general3A {dimension_numbers = #tpu.dot_dimension_numbers<[1], [0], [0], [1], [0, 0, 1, 1], [], []>, transpose_lhs_hint = false} : vector<2000x128xf32>, vector<128x128xf32>, vector<2000x128xf32> -> vector<2000x128xf32>
    %get3A_13 = arith.constant 0 : index
    %get3A_14 = arith.constant 0 : index
    %get3A_15 = vector.load %arg3[%get3A_13, %get3A_14] : memref<1x128xf32, #tpu.memory_space<vmem>>, vector<1x128xf32>
    %add3A_16 = vector.broadcast %get3A_15 : vector<1x128xf32> to vector<2000x128xf32>
    %add3A_17 = arith.addf %dot_general3A_12, %add3A_16 : vector<2000x128xf32>
    %swap3A = arith.constant 0 : index
    %swap3A_18 = arith.constant 0 : index
    %swap3A_19 = vector.load %arg4[%swap3A, %swap3A_18] : memref<2000x128xf32, #tpu.memory_space<vmem>>, vector<2000x128xf32>
    tpu.vector_store %arg4[%swap3A, %swap3A_18], %add3A_17 {strides = array<i32>} : memref<2000x128xf32, #tpu.memory_space<vmem>>, vector<2000x128xf32>,
    return
  }
  func.func @transform_0(%arg0: i32) -> (i32, i32, i32) {
    %c0_i32 = arith.constant 0 : i32
    %c0_i32_0 = arith.constant 0 : i32
    %c0_i32_1 = arith.constant 0 : i32
    return %c0_i32, %arg0, %c0_i32_0 : i32, i32, i32
  }
  func.func @transform_1(%arg0: i32) -> (i32, i32) {
    %c0_i32 = arith.constant 0 : i32
    %c0_i32_0 = arith.constant 0 : i32
    %c0_i32_1 = arith.constant 0 : i32
    return %c0_i32, %c0_i32_0 : i32, i32
  }
  func.func @transform_2(%arg0: i32) -> (i32, i32) {
    %c0_i32 = arith.constant 0 : i32
    %c0_i32_0 = arith.constant 0 : i32
    %c0_i32_1 = arith.constant 0 : i32
    return %c0_i32, %c0_i32_0 : i32, i32
  }
  func.func @transform_3(%arg0: i32) -> (i32, i32) {
    %c0_i32 = arith.constant 0 : i32
    %c0_i32_0 = arith.constant 0 : i32
    return %arg0, %c0_i32 : i32, i32
  }
}

</mosaic_0001>

<sc_bundles>
// kernel: kernel.4.cloned.1.call-start
scs
__scs_entry_jumppad:
0x0: {  	(pc) =	sbr.rel $0x88, $3  }
0x1: {  	(tag) =	ssettag $0x0;
	lr =	simm.s32 $0x1  }
0x2: {  	[smem:$0x3F9D] =	sst lr;
	_ =	strace $0xD0000000  }
0x3: {  	_ = 	snop  }
0x4: {  	_ = 	snop  }
0x5: {  	_ = 	snop  }
0x6: {  	_ = 	snop  }
0x7: {  	_ = 	snop  }
__scs_overlays_trampoline_lowered:
0x8: {  	[smem:$0x3FAC] =	sst s0  }
0x9: {  	[smem:$0x3FAD] =	sst s1  }
0xa: {  	[smem:$0x3FAE] =	sst s2  }
0xb: {  	[smem:$0x3FAF] =	sst s3  }
0xc: {  	[smem:$0x3FB0] =	sst s4  }
0xd: {  	[smem:$0x3FB1] =	sst s5  }
0xe: {  	[smem:$0x3FB2] =	sst s6  }
0xf: {  	[smem:$0x3FB3] =	sst s7  }
0x10: {  	[smem:$0x3FB4] =	sst s8  }
0x11: {  	[smem:$0x3FB5] =	sst s9;
	s0 =	simm.s32 @!p0 $0x0  }
0x12: {  	s1 =	sld [smem:$0x3F9B];
	s0 =	simm.s32 @p0 $0x1  }
0x13: {  	[smem:$0x3FB6] =	sst s0;
	s0 =	simm.s32 @!p1 $0x0  }
0x14: {  	s2 =	sld [smem:$0x3F9A];
	s0 =	simm.s32 @p1 $0x1  }
0x15: {  	[smem:$0x3FB7] =	sst s0;
	s0 =	simm.s32 @!p2 $0x0  }
0x16: {  	s3 =	sld [smem:$0x3FDB];
	s0 =	simm.s32 @p2 $0x1  }
0x17: {  	s4 =	simm.s32 $0x1BF5;
	[smem:$0x3FB9] =	sst s0  }
0x18: {  	s0 =	sld [smem:$0x3F9C];
	_ =	swait.ge [sflag:s4], $0x0  }
0x19: {  	s7 =	sld [smem:$0x3F9D]  }
0x1a: {  	s8 =	sadd.s32 $0xFFFFE003, lr  }
0x1b: {  	s9 =	sadd.s32 $0xFFFFFEF7, lr;
	s5 =	simm.s32 $0xFFFFFFFF;
	p2 =	slt.u32 s8, $0xFFFFF086  }
0x1c: {  	p1 =	slt.u32 s9, $0xF7A;
	s5 =	simm.s32 @!p2 $0x0  }
0x1d: {  	s5 =	simm.s32 @p1 $0x1;
	p0 =	seq.s32 s7, s2  }
0x1e: {  	s7 =	smul.u32 @!p0 $0xF7A, s2;
	p2 =	seq.s32 @!p0 s5, $0x0  }
0x1f: {  	s9 =	smul.u32 $0xF7A, s1;
	s8 =	simm.s32 @!p0 $0x1BF5;
	p2 =	por !p2, p0  }
0x20: {  	[sflag:s8] =	ssyncset.s32 @!p0 $0xFFFFF086;
	s6 =	sadd.s32 @!p0 s3, s7;
	s7 =	simm.s32 @!p0 $0x108  }
0x21: {  	s3 =	sadd.s32 s3, s9;
	s6 =	sadd.s32 @!p0 $0x88, s6;
	s7 =	simm.s32 @p2 $0x1082  }
0x22: {  	[simem:s7], [sflag:s8] =	dma.local @!p0 [hbm:s6], $0xF7A  }
0x23: {  	s9 =	sor.u32 $0xD0000000, s2;
	s6 =	simm.s32 $0x108;
	_ =	swait.ge @!p0 [sflag:s8], $0x0  }
0x24: {  	s3 =	sadd.s32 $0x88, s3;
	s6 =	simm.s32 @!p1 $0x1082;
	[sflag:s4] =	ssyncset.s32 $0xFFFFF086  }
0x25: {  	[simem:s6], [sflag:s4] =	dma.local [hbm:s3], $0xF7A  }
0x26: {  	[smem:$0x3F9D] =	sst s1;
	(tag) =	ssettag s2;
	_ =	strace s9  }
0x27: {  	s1 =	sld [smem:$0x3FAD]  }
0x28: {  	s2 =	sld [smem:$0x3FAE]  }
0x29: {  	s4 =	sld [smem:$0x3FB0]  }
0x2a: {  	p0 =	seq.s32 s5, $0x0;
	s5 =	sld [smem:$0x3FB1]  }
0x2b: {  	s6 =	sld [smem:$0x3FB2]  }
0x2c: {  	s7 =	sld [smem:$0x3FB3]  }
0x2d: {  	s3 =	simm.s32 $0x108;
	s8 =	sld [smem:$0x3FB4]  }
0x2e: {  	s3 =	simm.s32 @!p0 $0x1082;
	s9 =	sld [smem:$0x3FB5]  }
0x2f: {  	lr =	sadd.s32 s0, s3;
	s0 =	sld [smem:$0x3FAC]  }
0x30: {  	s3 =	sld [smem:$0x3FAF]  }
0x31: {  	[smem:$0x3FB8] =	sst s10  }
0x32: {  	s10 =	sld [smem:$0x3FB6];
	_ =	sdelay $0x3  }
0x33: {  	p0 =	seq.s32 s10, $0x1;
	s10 =	sld [smem:$0x3FB8];
	_ =	sdelay $0x3  }
0x34: {  	[smem:$0x3FB8] =	sst s10  }
0x35: {  	s10 =	sld [smem:$0x3FB7];
	_ =	sdelay $0x3  }
0x36: {  	p1 =	seq.s32 s10, $0x1;
	s10 =	sld [smem:$0x3FB8];
	_ =	sdelay $0x3  }
0x37: {  	[smem:$0x3FB8] =	sst s10  }
0x38: {  	s10 =	sld [smem:$0x3FB9]  }
0x39: {  	_ = 	snop;
	(pc) =	sbr.ind lr, $3  }
0x3a: {  	_ = 	snop  }
0x3b: {  	_ = 	snop  }
0x3c: {  	p2 =	seq.s32 s10, $0x1;
	s10 =	sld [smem:$0x3FB8]  }
0x3d: {  	_ =	shalt  }
0x3e: {  	_ =	shalt  }
0x3f: {  	_ =	shalt  }
0x40: {  	_ =	shalt  }
0x41: {  	_ =	shalt  }
0x42: {  	_ =	shalt  }
0x43: {  	_ =	shalt  }
0x44: {  	_ =	shalt  }
0x45: {  	_ =	shalt  }
0x46: {  	_ =	shalt  }
0x47: {  	_ =	shalt  }
0x48: {  	_ =	shalt  }
0x49: {  	_ =	shalt  }
0x4a: {  	_ =	shalt  }
0x4b: {  	_ =	shalt  }
0x4c: {  	_ =	shalt  }
0x4d: {  	_ =	shalt  }
0x4e: {  	_ =	shalt  }
0x4f: {  	_ =	shalt  }
0x50: {  	_ =	shalt  }
0x51: {  	_ =	shalt  }
0x52: {  	_ =	shalt  }
0x53: {  	_ =	shalt  }
0x54: {  	_ =	shalt  }
0x55: {  	_ =	shalt  }
0x56: {  	_ =	shalt  }
0x57: {  	_ =	shalt  }
0x58: {  	_ =	shalt  }
0x59: {  	_ =	shalt  }
0x5a: {  	_ =	shalt  }
0x5b: {  	_ =	shalt  }
0x5c: {  	_ =	shalt  }
0x5d: {  	_ =	shalt  }
0x5e: {  	_ =	shalt  }
0x5f: {  	_ =	shalt  }
0x60: {  	_ =	shalt  }
0x61: {  	_ =	shalt  }
0x62: {  	_ =	shalt  }
0x63: {  	_ =	shalt  }
0x64: {  	_ =	shalt  }
0x65: {  	_ =	shalt  }
0x66: {  	_ =	shalt  }
0x67: {  	_ =	shalt  }
0x68: {  	_ =	shalt  }
0x69: {  	_ =	shalt  }
0x6a: {  	_ =	shalt  }
0x6b: {  	_ =	shalt  }
0x6c: {  	_ =	shalt  }
0x6d: {  	_ =	shalt  }
0x6e: {  	_ =	shalt  }
0x6f: {  	_ =	shalt  }
0x70: {  	_ =	shalt  }
0x71: {  	_ =	shalt  }
0x72: {  	_ =	shalt  }
0x73: {  	_ =	shalt  }
0x74: {  	_ =	shalt  }
0x75: {  	_ =	shalt  }
0x76: {  	_ =	shalt  }
0x77: {  	_ =	shalt  }
0x78: {  	_ =	shalt  }
0x79: {  	_ =	shalt  }
0x7a: {  	_ =	shalt  }
0x7b: {  	_ =	shalt  }
0x7c: {  	_ =	shalt  }
0x7d: {  	_ =	shalt  }
0x7e: {  	_ =	shalt  }
0x7f: {  	_ =	shalt  }
0x80: {  	_ =	shalt  }
0x81: {  	_ =	shalt  }
0x82: {  	_ =	shalt  }
0x83: {  	_ =	shalt  }
0x84: {  	_ =	shalt  }
0x85: {  	_ =	shalt  }
0x86: {  	_ =	shalt  }
0x87: {  	_ =	shalt  }
.Lfunc_end0:
.L_simem_size_0:
called_computation_lowered:
.L_overlay_start_0:
0x88: {  	s2 =	sld [smem:$0x3FD9]  }
0x89: {  	s3 =	sld [smem:$0x3FFE];
	_ =	sdelay $0x1  }
0x8a: {  	s1 =	srdreg.scid  }
0x8b: {  	s0 =	sand.u32 $0x1, s1  }
0x8c: {  	s17 =	sshll.u32 s0, $0xA;
	s2 =	sadd.s32 s3, s2  }
0x8d: {  	s2 =	sadd.s32 s2, s17  }
0x8e: {  	[smem:$0x3FC4] =	sst s2  }
0x8f: {  	_ = 	snop  }
0x90: {  	s2 =	sld [smem:$0x3FC9]  }
0x91: {  	s18 =	sld [smem:$0x3FD0];
	(tm) =	ssettm $0x1  }
0x92: {  	s4 =	sld [smem:$0x3FFB];
	_ =	sdelay $0x3  }
0x93: {  	_ =	strace s4  }
0x94: {  	s4 =	sld [smem:$0x3FFC];
	_ =	sdelay $0x3  }
0x95: {  	_ =	strace s4  }
0x96: {  	s4 =	sld [smem:$0x3FFD];
	_ =	sdelay $0x3  }
0x97: {  	_ =	strace s4  }
0x98: {  	_ =	strace $0x8FFFFFFF  }
0x99: {  	s19 =	sld [smem:$0x3FDB];
	_ =	sdelay $0x1  }
0x9a: {  	s5 =	simm.s32 $_scs_section_size  }
0x9b: {  	s6 =	simm.s32 $_size__tile_overlayer_lowered;
	s7 =	simm.s32 $_tile_overlayer_lowered  }
0x9c: {  	s22 =	simm.s32 $0x1BFF;
	s21 =	sshll.u32 s7, $0x1;
	s4 =	sadd.s32 s5, s19  }
0x9d: {  	s8 =	simm.s32 $0x0;
	s20 =	sshll.u32 s6, $0x1;
	s6 =	sadd.s32 s21, s4  }
0x9e: {  	[timem:s8], [sflag:s22] =	dma.local [hbm:s6], s20  }
0x9f: {  	_ =	swait.ge [sflag:s22], s20  }
0xa0: {  	s5 =	ssub.s32 $0x0, s20;
	[sflag:s22] =	ssyncset.done $0x0  }
0xa1: {  	[sflag:s22] =	ssyncadd.s32 s5;
	_ =	sdelay $0x1  }
0xa2: {  	s23 =	simm.s32 $0x1B8B  }
0xa3: {  	_ =	swait.ge [sflag:s23], $0x1  }
0xa4: {  	[sflag:s23] =	ssyncset.done $0x0  }
0xa5: {  	s25 =	simm.s32 $0x1B8E;
	s24 =	sld [smem:$0x3FFE];
	[sflag:s23] =	ssyncadd.s32 $0xFFFFFFFF  }
0xa6: {  	s26 =	simm.s32 $execute0_lowered;
	[smem:$0x3FD2] =	sst s25  }
0xa7: {  	s6 =	sshll.u32 s26, $0x1;
	_ =	strace $0x80000046;
	[dreg:$0x1] =	wrdreg $0xFFFFFFFF  }
0xa8: {  	s28 =	simm.s32 $_size_execute0_lowered;
	s4 =	sadd.s32 s4, s6;
	[dreg:$0x0] =	wrdreg $0x0  }
0xa9: {  	s6 =	sshll.u32 s28, $0x1;
	[dreg:$0x2] =	wrdreg s4  }
0xaa: {  	[dreg:$0x3] =	wrdreg s6  }
0xab: {  	[dreg:$0x4] =	wrdreg $0xC0  }
0xac: {  	_ =	task [dreg:s8], $0x5FFFF  }
0xad: {  	[dreg:$0x1] =	wrdreg $0xFFFFFFFF  }
0xae: {  	[dreg:$0x0] =	wrdreg $0x60  }
0xaf: {  	[dreg:$0x2] =	wrdreg s2  }
0xb0: {  	[dreg:$0x3] =	wrdreg s24  }
0xb1: {  	[dreg:$0x4] =	wrdreg s18  }
0xb2: {  	[dreg:$0x5] =	wrdreg $0x0  }
0xb3: {  	[dreg:$0x6] =	wrdreg $0x9  }
0xb4: {  	_ =	task.clear_ibuf [dreg:s8], $0x7FFFF;
	_ =	strace $0x90000046  }
0xb5: {  	s29 =	simm.s32 $0x9;
	_ =	strace $0x80000048  }
0xb6: {  	_ =	swait.ge [sflag:s29], $0x1  }
0xb7: {  	[sflag:s29] =	ssyncadd.s32 $0xFFFFFFFF  }
0xb8: {  	_ =	strace $0x90000048  }
0xb9: {  	_ =	sfence  }
0xba: {  	s30 =	sld [smem:$0x0];
	_ =	sdelay $0x2  }
0xbb: {  	s31 =	sshll.u32 s1, $0xD;
	s1 =	sshrl.u32 s1, $0x2  }
0xbc: {  	s3 =	sand.u32 $0x4000, s31;
	s1 =	sadd.s32 s1, s30  }
0xbd: {  	s0 =	sor.u32 s3, s0;
	s1 =	sshll.u32 s1, $0x11  }
0xbe: {  	s0 =	sor.u32 s1, s0  }
0xbf: {  	s0 =	sadd.s32 $0x8F2B, s0  }
0xc0: {  	[sflag:s0] =	ssyncadd.remote.s32 $0x1  }
0xc1: {  	_ =	sfence.sel $0xFFFF  }
0xc2: {  	[dreg:$0x0] =	wrdreg $0xFFFFFFFF;
	(pc) =	sbr.abs _section_cstart, $3  }
0xc3: {  	[dreg:$0x1] =	wrdreg $0xFFFFFFFF  }
0xc4: {  	_ =	task.clear_ibuf [dreg:s8], $0x2FFFF;
	_ =	strace $0x9FFFFFFF  }
0xc5: {  	(tm) =	ssettm $0x7FFFFFFF  }
tec
execute0_lowered:
.L_overlay_start_1:
0x0: {  	(tag) =	ssettag $0x1  }
0x1: {  	s1 =	rddreg [dreg:$0x0]  }
0x2: {  	s0 =	rddreg [dreg:$0x1]  }
0x3: {  	s4 =	rddreg [dreg:$0x2]  }
0x4: {  	s2 =	rddreg [dreg:$0x3]  }
0x5: {  	s3 =	simm.s32 $0x0;
	s5 =	srdreg.scid;
	s14 =	stileid.u32  }
0x6: {  	[smem:$0x7FF] =	sst s3;
	s9 =	smul.u32 $0x270, s14  }
0x7: {  	s7 =	sand.u32 $0x1, s5;
	s8 =	sadd.s32 $0x200, s0;
	s12 =	smul.u32 $0x4E000, s14  }
0x8: {  	s11 =	sshll.u32 s14, $0x1;
	s31 =	smul.u32 $0x2700, s14;
	s15 =	sadd.s32 $0x124800, s2  }
0x9: {  	s16 =	sadd.s32 $0x24900, s1;
	s18 =	sadd.s32 $0x25D00, s1;
	s23 =	sshll.u32 s14, $0x5  }
0xa: {  	s25 =	smul.u32 $0x50000, s14;
	_ =	strace $0x80000047;
	[dreg:$0x9] =	wrdreg s15  }
0xb: {  	p2 =	seq.s32 s14, $0xF;
	s5 =	smul.u32 $0x27100, s7;
	[dreg:$0xa] =	wrdreg s16  }
0xc: {  	s6 =	ssub.s32 $0x2, s7;
	[dreg:$0xb] =	wrdreg s18;
	s24 =	sshll.u32 s7, $0x4  }
0xd: {  	p0 =	sne.s32 s7, $0x0;
	p1 =	seq.s32 s7, $0x0;
	s10 =	sshrl.u32 s6, $0x1  }
0xe: {  	s30 =	sshrl.u32 s12, $0x2;
	s9 =	sadd.s32 $0x138, s9;
	[dreg:$0x5] =	wrdreg s31  }
0xf: {  	s28 =	sshrl.u32 s25, $0x2;
	s25 =	simm.s32 $0x0;
	s0 =	sadd.s32 s5, s0  }
0x10: {  	s10 =	ssub.s32 s6, s10;
	s5 =	sor.u32 s7, s11;
	s11 =	sadd.s32 s30, s2  }
0x11: {  	s12 =	sshll.u32 s9, $0x7;
	s6 =	sadd.s32 s1, s31;
	[dreg:$0x6] =	wrdreg s11  }
0x12: {  	s9 =	sshll.u32 s9, $0x4;
	[dreg:$0x7] =	wrdreg s6;
	s11 =	sadd.s32 s12, s2  }
0x13: {  	s13 =	sadd.s32 s1, s9;
	s17 =	sshll.u32 s5, $0x4;
	s12 =	sadd.s32 $0x12E800, s2  }
0x14: {  	s6 =	simm.s32 @!p0 $0x0;
	s9 =	simm.s32 $0x1;
	[dreg:$0x8] =	wrdreg s13  }
0x15: {  	s13 =	sor.u32 $0x200, s17;
	s19 =	sadd.s32 s8, s17;
	s15 =	sadd.s32 s4, s17  }
0x16: {  	s6 =	simm.s32 @p0 $0x1;
	p0 =	seq.s32 @p1 s14, $0xF;
	[dreg:$0xc] =	wrdreg s19  }
0x17: {  	s20 =	sadd.s32 s8, s13;
	s21 =	sadd.s32 s4, s13;
	[smem:$0x7FA] =	sst s6  }
0x18: {  	s22 =	sadd.s32 $0x400, s15;
	s4 =	sadd.s32 s23, s4;
	[dreg:$0xd] =	wrdreg s20  }
0x19: {  	s8 =	sadd.s32 s23, s8;
	s26 =	sadd.s32 $0x600, s15;
	[dreg:$0xe] =	wrdreg s21  }
0x1a: {  	p3 =	por !p0, !p1;
	p0 =	por p0, !p1;
	[dreg:$0xf] =	wrdreg s22  }
0x1b: {  	s18 =	sadd.s32 s24, s4;
	[dreg:$0x10] =	wrdreg s26;
	s4 =	sshrl.u32 @p2 s12, $0x3  }
0x1c: {  	s21 =	sadd.s32 $0xA000, s0;
	s0 =	sadd.s32 s28, s2;
	[dreg:$0x12] =	wrdreg s4  }
0x1d: {  	s19 =	sadd.s32 s24, s8;
	s4 =	sshrl.u32 @!p2 s11, $0x3;
	[dreg:$0x11] =	wrdreg s0  }
0x1e: {  	s22 =	smax.u32 s10, $0x1;
	s29 =	sadd.s32 $0x4000, s0;
	[dreg:$0x13] =	wrdreg s4  }
0x1f: {  	s30 =	sadd.s32 $0x8000, s0;
	s4 =	simm.s32 @!p3 $0x0;
	[dreg:$0x14] =	wrdreg s29  }
0x20: {  	s8 =	simm.s32 $0x14080;
	[dreg:$0x15] =	wrdreg s30;
	s4 =	simm.s32 @p3 $0x1  }
0x21: {  	s31 =	sadd.s32 $0xC000, s0;
	[smem:$0x7FB] =	sst s4;
	s4 =	simm.s32 @!p1 $0x0  }
0x22: {  	s12 =	simm.s32 $0x14300;
	[dreg:$0x16] =	wrdreg s31;
	s4 =	simm.s32 @p1 $0x1  }
0x23: {  	s0 =	sadd.s32 $0x10000, s0;
	[smem:$0x7FC] =	sst s4;
	s4 =	simm.s32 @!p0 $0x0  }
0x24: {  	s24 =	simm.s32 $0x2;
	[dreg:$0x17] =	wrdreg s0;
	s4 =	simm.s32 @p0 $0x1  }
0x25: {  	v0 =	vimm.f32 $0.0e+00;
	s11 =	simm.s32 $0x80;
	s0 =	simm.s32 $0x9;
	[smem:$0x7FD] =	sst s4  }
.LBB2_1:
0x26: {  	s31 =	sld [smem:$0x7FA];
	_ =	sdelay $0x2  }
0x27: {  	p0 =	seq.s32 s31, $0x1  }
.Ltmp0:
0x28: {  	_ = 	snop;
	(pc) =	sbr.rel @p0 .LBB2_3-.Ltmp0, $4  }
0x29: {  	s4 =	rddreg [dreg:$0x9]  }
0x2a: {  	s29 =	sshrl.u32 @p2 s4, $0x3;
	s4 =	stileid.u32  }
0x2b: {  	s26 =	sshll.u32 @!p2 s4, $0x6;
	s4 =	rddreg [dreg:$0x6]  }
0x2c: {  	s28 =	sshrl.u32 @!p2 s4, $0x3  }
0x2d: {  	s4 =	simm.s32 @p2 $0x1FC3;
	s6 =	rddreg [dreg:$0xa]  }
0x2e: {  	[spmem:s29], [sflag:s4] =	dma.local @p2 [hbm:s6], $0x1400  }
0x2f: {  	s6 =	rddreg [dreg:$0xb]  }
0x30: {  	s4 =	simm.s32 @p2 $0x1FC4;
	s7 =	rddreg [dreg:$0x12]  }
0x31: {  	[spmem:s7], [sflag:s4] =	dma.local @p2 [hbm:s6], $0x1400  }
.Ltmp1:
0x32: {  	s4 =	sor.u32 @!p2 $0x1C03, s26;
	s6 =	rddreg [dreg:$0x7];
	(pc) =	sbr.rel .LBB2_6-.Ltmp1, $4  }
0x33: {  	[spmem:s28], [sflag:s4] =	dma.local @!p2 [hbm:s6], $0x1380  }
0x34: {  	s6 =	rddreg [dreg:$0x8]  }
0x35: {  	s4 =	sor.u32 @!p2 $0x1C04, s26;
	s7 =	rddreg [dreg:$0x13]  }
0x36: {  	[spmem:s7], [sflag:s4] =	dma.local @!p2 [hbm:s6], $0x1380  }
.LBB2_3:
0x37: {  	s4 =	sshra.s32 s3, $0x2;
	s7 =	sadd.s32 $0x200, s3  }
.LBB2_4:
0x38: {  	p0 =	sne.s32 s7, $0xFE00;
	[tilespmem:s4+$0x14370] =	vst v0  }
0x39: {  	[tilespmem:s4+$0x14300] =	vst v0  }
0x3a: {  	[tilespmem:s4+$0x14310] =	vst v0  }
.Ltmp2:
0x3b: {  	[tilespmem:s4+$0x14320] =	vst v0;
	(pc) =	sbr.rel @p0 .LBB2_4-.Ltmp2, $4  }
0x3c: {  	[tilespmem:s4+$0x14330] =	vst v0  }
0x3d: {  	[tilespmem:s4+$0x14340] =	vst v0  }
0x3e: {  	[tilespmem:s4+$0x14350] =	vst v0  }
0x3f: {  	[tilespmem:s4+$0x14360] =	vst v0;
	s4 =	sshra.s32 s7, $0x2;
	s7 =	sadd.s32 $0x200, s7  }
0x40: {  	[tilespmem:s4+$0x14370] =	vst v0  }
0x41: {  	[tilespmem:s4+$0x14300] =	vst v0  }
0x42: {  	[tilespmem:s4+$0x14310] =	vst v0  }
0x43: {  	[tilespmem:s4+$0x14320] =	vst v0  }
0x44: {  	[tilespmem:s4+$0x14330] =	vst v0  }
0x45: {  	[tilespmem:s4+$0x14340] =	vst v0  }
0x46: {  	[tilespmem:s4+$0x14350] =	vst v0  }
0x47: {  	[tilespmem:s4+$0x14360] =	vst v0;
	s17 =	rddreg [dreg:$0x11]  }
0x48: {  	[spmem:s17] =	stream.linear.scatter [tilespmem:s12], [sflag:$0x3], $0x4000, $0x38;
	[tilespmem:$0x1C300] =	vst v63  }
0x49: {  	s20 =	rddreg [dreg:$0x14]  }
0x4a: {  	[spmem:s20] =	stream.linear.scatter [tilespmem:s12], [sflag:$0x3], $0x4000, $0x38;
	[tilespmem:$0x1C300] =	vst v63  }
0x4b: {  	s23 =	rddreg [dreg:$0x15]  }
0x4c: {  	[spmem:s23] =	stream.linear.scatter [tilespmem:s12], [sflag:$0x3], $0x4000, $0x38;
	[tilespmem:$0x1C300] =	vst v63  }
0x4d: {  	s30 =	rddreg [dreg:$0x16]  }
0x4e: {  	[spmem:s30] =	stream.linear.scatter [tilespmem:s12], [sflag:$0x3], $0x4000, $0x38;
	[tilespmem:$0x1C300] =	vst v63  }
0x4f: {  	s31 =	rddreg [dreg:$0x17]  }
0x50: {  	[spmem:s31] =	stream.linear.scatter [tilespmem:s12], [sflag:$0x3], $0x4000, $0x38;
	[tilespmem:$0x1C300] =	vst v63  }
.LBB2_6:
0x51: {  	s4 =	rddreg [dreg:$0xc];
	s6 =	simm.s32 $0x14000  }
0x52: {  	[tilespmem:s6], [sflag:$0x9] =	stream.linear.gather [hbm4b:s4+s3], $0x80, $0x38;
	[tilespmem:$0x1C300] =	vst v63  }
0x53: {  	_ =	swait.ge [sflag:s0], $0x80  }
0x54: {  	[sflag:s0] =	ssyncset.done $0x0  }
0x55: {  	s20 =	rddreg [dreg:$0xd];
	[sflag:s0] =	ssyncadd.s32 $0xFFFFFF80  }
0x56: {  	[tilespmem:s8], [sflag:$0x9] =	stream.linear.gather [hbm4b:s20+s3], $0x80, $0x38;
	[tilespmem:$0x1C300] =	vst v63  }
0x57: {  	_ =	swait.ge [sflag:s0], $0x80  }
0x58: {  	[sflag:s0] =	ssyncset.done $0x0  }
0x59: {  	s23 =	simm.s32 $0x14100;
	s17 =	sld [smem:$0x7FB];
	[sflag:s0] =	ssyncadd.s32 $0xFFFFFF80  }
0x5a: {  	[tilespmem:s23], [sflag:$0x5] =	stream.linear.gather [hbm4b:s15+s3], $0x80, $0x38;
	[tilespmem:$0x1C300] =	vst v63  }
0x5b: {  	s7 =	simm.s32 $0x14180;
	s31 =	rddreg [dreg:$0xe]  }
0x5c: {  	[tilespmem:s7], [sflag:$0x6] =	stream.linear.gather [hbm4b:s31+s3], $0x80, $0x38;
	[tilespmem:$0x1C300] =	vst v63  }
0x5d: {  	s13 =	simm.s32 $0x14200;
	s10 =	rddreg [dreg:$0xf];
	p0 =	seq.s32 s17, $0x1  }
0x5e: {  	[tilespmem:s13], [sflag:$0x7] =	stream.linear.gather [hbm4b:s10+s3], $0x80, $0x38;
	[tilespmem:$0x1C300] =	vst v63  }
0x5f: {  	s16 =	simm.s32 $0x14280;
	s14 =	rddreg [dreg:$0x10];
	s4 =	simm.s32 @!p0 $0x3  }
0x60: {  	[tilespmem:s16], [sflag:$0x8] =	stream.linear.gather [hbm4b:s14+s3], $0x80, $0x38;
	[tilespmem:$0x1C300] =	vst v63  }
0x61: {  	_ =	swait.ge @!p0 [sflag:s4], $0x1400  }
0x62: {  	[sflag:s4] =	ssyncset.done @!p0 $0x0  }
0x63: {  	[sflag:s4] =	ssyncadd.s32 @!p0 $0xFFFFEC00;
	s4 =	simm.s32 @!p0 $0x4  }
0x64: {  	_ =	swait.ge @!p0 [sflag:s4], $0x1400  }
0x65: {  	s20 =	sld [smem:$0x7FD];
	_ =	sdelay $0x1  }
0x66: {  	[sflag:s4] =	ssyncset.done @!p0 $0x0  }
0x67: {  	[sflag:s4] =	ssyncadd.s32 @!p0 $0xFFFFEC00;
	p0 =	seq.s32 s20, $0x1  }
0x68: {  	s4 =	simm.s32 @!p0 $0x3  }
0x69: {  	_ =	swait.ge @!p0 [sflag:s4], $0x1380  }
0x6a: {  	[sflag:s4] =	ssyncset.done @!p0 $0x0  }
0x6b: {  	[sflag:s4] =	ssyncadd.s32 @!p0 $0xFFFFEC80;
	s4 =	simm.s32 @!p0 $0x4  }
0x6c: {  	_ =	swait.ge @!p0 [sflag:s4], $0x1380  }
0x6d: {  	s23 =	sld [smem:$0x7FC];
	_ =	sdelay $0x1  }
0x6e: {  	[sflag:s4] =	ssyncset.done @!p0 $0x0  }
0x6f: {  	[sflag:s4] =	ssyncadd.s32 @!p0 $0xFFFFEC80;
	p0 =	seq.s32 s23, $0x1  }
0x70: {  	s4 =	simm.s32 @!p0 $0x3  }
0x71: {  	_ =	swait.ge @!p0 [sflag:s4], $0x4000  }
0x72: {  	[sflag:s4] =	ssyncset.done @!p0 $0x0  }
0x73: {  	[sflag:s4] =	ssyncadd.s32 @!p0 $0xFFFFC000  }
0x74: {  	_ =	swait.ge @!p0 [sflag:s4], $0x4000  }
0x75: {  	[sflag:s4] =	ssyncset.done @!p0 $0x0  }
0x76: {  	[sflag:s4] =	ssyncadd.s32 @!p0 $0xFFFFC000  }
0x77: {  	_ =	swait.ge @!p0 [sflag:s4], $0x4000  }
0x78: {  	[sflag:s4] =	ssyncset.done @!p0 $0x0  }
0x79: {  	[sflag:s4] =	ssyncadd.s32 @!p0 $0xFFFFC000  }
0x7a: {  	_ =	swait.ge @!p0 [sflag:s4], $0x4000  }
0x7b: {  	[sflag:s4] =	ssyncset.done @!p0 $0x0  }
0x7c: {  	[sflag:s4] =	ssyncadd.s32 @!p0 $0xFFFFC000  }
0x7d: {  	_ =	swait.ge @!p0 [sflag:s4], $0x4000  }
0x7e: {  	[sflag:s4] =	ssyncset.done @!p0 $0x0  }
0x7f: {  	[sflag:s4] =	ssyncadd.s32 @!p0 $0xFFFFC000  }
0x80: {  	[tilespmem:s12], [sflag:$0x1] =	stream.indirect.gather [hbm4b:s1+s11], $0x80, s6, s11, $0xb8;
	[tilespmem:$0x1C300] =	vst v63  }
0x81: {  	s31 =	simm.s32 $0x18300;
	s7 =	sadd.s32 $0x40, s5  }
0x82: {  	[tilespmem:s31], [sflag:$0x2] =	stream.indirect.gather [hbm4b:s1+s11], $0x80, s8, s11, $0xb8;
	[tilespmem:$0x1C300] =	vst v63  }
0x83: {  	p0 =	slt.u32 s7, $0x9C4;
	[bflag:$0x0] =	sbarrier.arrive $0xFFFF  }
0x84: {  	s4 =	sadd.s32 @p0 $0x0, s19;
	_ =	swait.ge [sflag:s9], $0x4000  }
0x85: {  	s10 =	simm.s32 @p0 $0x14000;
	s13 =	simm.s32 @p0 $0x0;
	[sflag:s9] =	ssyncset.done $0x0  }
0x86: {  	s23 =	simm.s32 @p0 $0x5;
	s4 =	sadd.s32 @p0 $0x400, s4;
	[sflag:s9] =	ssyncadd.s32 $0xFFFFC000  }
0x87: {  	[tilespmem:s10], [sflag:$0x3] =	stream.linear.gather @p0 [hbm4b:s4+s13], $0x80, $0x38;
	[tilespmem:$0x1C300] =	vst v63  }
0x88: {  	_ =	swait.ge @p0 [sflag:s23], $0x80  }
0x89: {  	s30 =	simm.s32 @p0 $0x14100;
	s4 =	simm.s32 @p0 $0x14300;
	[sflag:s23] =	ssyncset.done @p0 $0x0  }
0x8a: {  	s13 =	simm.s32 @p0 $0x80;
	[sflag:s23] =	ssyncadd.s32 @p0 $0xFFFFFF80;
	s23 =	simm.s32 @p0 $0x9  }
0x8b: {  	[spmem:s2] =	stream.indirect.scatter.add.f32 @p0 [tilespmem:s4], [sflag:$0x9], $0x80, s30, s13, $0xb8;
	[tilespmem:$0x1C300] =	vst v63  }
0x8c: {  	_ =	swait.ge @p0 [sflag:s23], $0x4000  }
0x8d: {  	[sflag:s23] =	ssyncset.done @p0 $0x0  }
0x8e: {  	p1 =	sgt.u32 @p0 s5, $0x943;
	s30 =	simm.s32 @p0 $0x3;
	[sflag:s23] =	ssyncadd.s32 @p0 $0xFFFFC000  }
0x8f: {  	p1 =	por p1, !p0;
	_ =	swait.ge @p0 [sflag:s30], $0x80  }
0x90: {  	s23 =	sadd.s32 @!p1 $0x0, s18;
	[sflag:s30] =	ssyncset.done @p0 $0x0  }
0x91: {  	s23 =	sadd.s32 @!p1 $0x800, s23;
	[sflag:s30] =	ssyncadd.s32 @p0 $0xFFFFFF80  }
0x92: {  	[tilespmem:s4], [sflag:$0x1] =	stream.indirect.gather @p0 [hbm4b:s1+s13], $0x80, s10, s13, $0xb8;
	[tilespmem:$0x1C300] =	vst v63  }
0x93: {  	s4 =	simm.s32 @!p1 $0x0;
	s10 =	simm.s32 @!p1 $0x14100;
	s13 =	simm.s32 @!p0 $0x5  }
0x94: {  	[tilespmem:s10], [sflag:$0x5] =	stream.linear.gather @!p1 [hbm4b:s23+s4], $0x80, $0x38;
	[tilespmem:$0x1C300] =	vst v63  }
0x95: {  	_ =	swait.ge @!p0 [sflag:s13], $0x80  }
0x96: {  	s4 =	simm.s32 @!p0 $0x14300;
	s10 =	simm.s32 @!p0 $0x80;
	[sflag:s13] =	ssyncset.done @!p0 $0x0  }
0x97: {  	s23 =	simm.s32 @!p0 $0x14100;
	[sflag:s13] =	ssyncadd.s32 @!p0 $0xFFFFFF80;
	s13 =	simm.s32 @!p0 $0x9  }
0x98: {  	[spmem:s2] =	stream.indirect.scatter.add.f32 @!p0 [tilespmem:s4], [sflag:$0x9], $0x80, s23, s10, $0xb8;
	[tilespmem:$0x1C300] =	vst v63  }
0x99: {  	_ =	swait.ge @!p0 [sflag:s13], $0x4000  }
0x9a: {  	s4 =	sadd.s32 $0x60, s5;
	[sflag:s13] =	ssyncset.done @!p0 $0x0  }
0x9b: {  	[sflag:s13] =	ssyncadd.s32 @!p0 $0xFFFFC000;
	p0 =	slt.u32 s4, $0x9C4  }
0x9c: {  	_ =	swait.ge [sflag:s24], $0x4000;
	s10 =	sadd.s32 @p0 $0x0, s19  }
0x9d: {  	s13 =	simm.s32 @p0 $0x14080;
	s23 =	simm.s32 @p0 $0x0;
	[sflag:s24] =	ssyncset.done $0x0  }
0x9e: {  	s30 =	simm.s32 @p0 $0x6;
	s10 =	sadd.s32 @p0 $0x600, s10;
	[sflag:s24] =	ssyncadd.s32 $0xFFFFC000  }
0x9f: {  	[tilespmem:s13], [sflag:$0x4] =	stream.linear.gather @p0 [hbm4b:s10+s23], $0x80, $0x38;
	[tilespmem:$0x1C300] =	vst v63  }
0xa0: {  	_ =	swait.ge @p0 [sflag:s30], $0x80  }
0xa1: {  	s14 =	simm.s32 @p0 $0x14180;
	s10 =	simm.s32 @p0 $0x18300;
	[sflag:s30] =	ssyncset.done @p0 $0x0  }
0xa2: {  	s23 =	simm.s32 @p0 $0x80;
	[sflag:s30] =	ssyncadd.s32 @p0 $0xFFFFFF80;
	s30 =	simm.s32 @p0 $0x9  }
0xa3: {  	[spmem:s2] =	stream.indirect.scatter.add.f32 @p0 [tilespmem:s10], [sflag:$0x9], $0x80, s14, s23, $0xb8;
	[tilespmem:$0x1C300] =	vst v63  }
0xa4: {  	_ =	swait.ge @p0 [sflag:s30], $0x4000  }
0xa5: {  	s14 =	sadd.s32 $0x20, s5;
	[sflag:s30] =	ssyncset.done @p0 $0x0  }
0xa6: {  	p1 =	sgt.u32 @p0 s14, $0x943;
	s14 =	simm.s32 @p0 $0x4;
	[sflag:s30] =	ssyncadd.s32 @p0 $0xFFFFC000  }
0xa7: {  	p1 =	por p1, !p0;
	_ =	swait.ge @p0 [sflag:s14], $0x80  }
0xa8: {  	s30 =	sadd.s32 @!p1 $0x0, s18;
	[sflag:s14] =	ssyncset.done @p0 $0x0  }
0xa9: {  	[sflag:s14] =	ssyncadd.s32 @p0 $0xFFFFFF80;
	s14 =	sadd.s32 @!p1 $0xA00, s30  }
0xaa: {  	[tilespmem:s10], [sflag:$0x2] =	stream.indirect.gather @p0 [hbm4b:s1+s23], $0x80, s13, s23, $0xb8;
	[tilespmem:$0x1C300] =	vst v63  }
0xab: {  	s10 =	simm.s32 @!p1 $0x0;
	s13 =	simm.s32 @!p1 $0x14180;
	s23 =	simm.s32 @!p0 $0x6  }
0xac: {  	[tilespmem:s13], [sflag:$0x6] =	stream.linear.gather @!p1 [hbm4b:s14+s10], $0x80, $0x38;
	[tilespmem:$0x1C300] =	vst v63  }
0xad: {  	_ =	swait.ge @!p0 [sflag:s23], $0x80  }
0xae: {  	s10 =	simm.s32 @!p0 $0x18300;
	s13 =	simm.s32 @!p0 $0x80;
	[sflag:s23] =	ssyncset.done @!p0 $0x0  }
0xaf: {  	s14 =	simm.s32 @!p0 $0x14180;
	[sflag:s23] =	ssyncadd.s32 @!p0 $0xFFFFFF80;
	s23 =	simm.s32 @!p0 $0x9  }
0xb0: {  	[spmem:s2] =	stream.indirect.scatter.add.f32 @!p0 [tilespmem:s10], [sflag:$0x9], $0x80, s14, s13, $0xb8;
	[tilespmem:$0x1C300] =	vst v63  }
0xb1: {  	p3 =	sgt.u32 s7, $0x9C3;
	_ =	swait.ge @!p0 [sflag:s23], $0x4000  }
0xb2: {  	p5 =	slt.u32 @!p3 s7, $0x984;
	[sflag:s23] =	ssyncset.done @!p0 $0x0  }
0xb3: {  	s10 =	simm.s32 @!p3 $0x1;
	[sflag:s23] =	ssyncadd.s32 @!p0 $0xFFFFC000;
	p0 =	por !p5, p3  }
0xb4: {  	_ =	swait.ge @!p3 [sflag:s10], $0x4000;
	s13 =	sadd.s32 @!p0 $0x0, s19  }
0xb5: {  	s14 =	simm.s32 @!p0 $0x14000;
	s23 =	simm.s32 @!p0 $0x0;
	[sflag:s10] =	ssyncset.done @!p3 $0x0  }
0xb6: {  	s13 =	sadd.s32 @!p0 $0x800, s13;
	[sflag:s10] =	ssyncadd.s32 @!p3 $0xFFFFC000;
	s10 =	simm.s32 @!p0 $0x7  }
0xb7: {  	[tilespmem:s14], [sflag:$0x3] =	stream.linear.gather @!p0 [hbm4b:s13+s23], $0x80, $0x38;
	[tilespmem:$0x1C300] =	vst v63  }
0xb8: {  	_ =	swait.ge @!p0 [sflag:s10], $0x80  }
0xb9: {  	s13 =	simm.s32 @!p0 $0x14300;
	[sflag:s10] =	ssyncset.done @!p0 $0x0  }
0xba: {  	s23 =	simm.s32 @!p0 $0x80;
	[sflag:s10] =	ssyncadd.s32 @!p0 $0xFFFFFF80;
	s10 =	simm.s32 @!p0 $0x14200  }
0xbb: {  	[spmem:s2] =	stream.indirect.scatter.add.f32 @!p0 [tilespmem:s13], [sflag:$0x9], $0x80, s10, s23, $0xb8;
	[tilespmem:$0x1C300] =	vst v63  }
0xbc: {  	s10 =	simm.s32 @!p0 $0x9  }
0xbd: {  	_ =	swait.ge @!p0 [sflag:s10], $0x4000  }
0xbe: {  	p1 =	sgt.u32 @!p0 s7, $0x943;
	[sflag:s10] =	ssyncset.done @!p0 $0x0  }
0xbf: {  	s7 =	simm.s32 @!p0 $0x3;
	p1 =	por @!p3 p1, !p5;
	[sflag:s10] =	ssyncadd.s32 @!p0 $0xFFFFC000  }
0xc0: {  	p4 =	por p1, p3;
	_ =	swait.ge @!p0 [sflag:s7], $0x80  }
0xc1: {  	s10 =	sadd.s32 @!p4 $0x0, s18;
	[sflag:s7] =	ssyncset.done @!p0 $0x0  }
0xc2: {  	p1 =	por p5, p3;
	[sflag:s7] =	ssyncadd.s32 @!p0 $0xFFFFFF80;
	s7 =	sadd.s32 @!p4 $0xC00, s10  }
0xc3: {  	[tilespmem:s13], [sflag:$0x1] =	stream.indirect.gather @!p0 [hbm4b:s1+s23], $0x80, s14, s23, $0xb8;
	[tilespmem:$0x1C300] =	vst v63  }
0xc4: {  	s10 =	simm.s32 @!p4 $0x0;
	s13 =	simm.s32 @!p4 $0x14200;
	s14 =	simm.s32 @!p1 $0x7  }
0xc5: {  	[tilespmem:s13], [sflag:$0x7] =	stream.linear.gather @!p4 [hbm4b:s7+s10], $0x80, $0x38;
	[tilespmem:$0x1C300] =	vst v63  }
0xc6: {  	_ =	swait.ge @!p1 [sflag:s14], $0x80  }
0xc7: {  	s7 =	simm.s32 @!p1 $0x14300;
	s10 =	simm.s32 @!p1 $0x80;
	[sflag:s14] =	ssyncset.done @!p1 $0x0  }
0xc8: {  	s13 =	simm.s32 @!p1 $0x14200;
	[sflag:s14] =	ssyncadd.s32 @!p1 $0xFFFFFF80;
	s14 =	simm.s32 @!p1 $0x9  }
0xc9: {  	[spmem:s2] =	stream.indirect.scatter.add.f32 @!p1 [tilespmem:s7], [sflag:$0x9], $0x80, s13, s10, $0xb8;
	[tilespmem:$0x1C300] =	vst v63  }
0xca: {  	p0 =	sgt.u32 s4, $0x9C3;
	_ =	swait.ge @!p1 [sflag:s14], $0x4000  }
0xcb: {  	p3 =	slt.u32 @!p0 s4, $0x984;
	[sflag:s14] =	ssyncset.done @!p1 $0x0  }
0xcc: {  	p4 =	por !p3, p0;
	s7 =	simm.s32 @!p0 $0x2;
	[sflag:s14] =	ssyncadd.s32 @!p1 $0xFFFFC000  }
0xcd: {  	s10 =	sadd.s32 @!p4 $0x0, s19;
	_ =	swait.ge @!p0 [sflag:s7], $0x4000  }
0xce: {  	s13 =	simm.s32 @!p4 $0x14080;
	s10 =	sadd.s32 @!p4 $0xA00, s10;
	[sflag:s7] =	ssyncset.done @!p0 $0x0  }
0xcf: {  	s14 =	simm.s32 @!p4 $0x0;
	[sflag:s7] =	ssyncadd.s32 @!p0 $0xFFFFC000;
	s7 =	simm.s32 @!p4 $0x8  }
0xd0: {  	[tilespmem:s13], [sflag:$0x4] =	stream.linear.gather @!p4 [hbm4b:s10+s14], $0x80, $0x38;
	[tilespmem:$0x1C300] =	vst v63  }
0xd1: {  	_ =	swait.ge @!p4 [sflag:s7], $0x80  }
0xd2: {  	s10 =	simm.s32 @!p4 $0x18300;
	[sflag:s7] =	ssyncset.done @!p4 $0x0  }
0xd3: {  	s14 =	simm.s32 @!p4 $0x80;
	[sflag:s7] =	ssyncadd.s32 @!p4 $0xFFFFFF80;
	s7 =	simm.s32 @!p4 $0x14280  }
0xd4: {  	[spmem:s2] =	stream.indirect.scatter.add.f32 @!p4 [tilespmem:s10], [sflag:$0x9], $0x80, s7, s14, $0xb8;
	[tilespmem:$0x1C300] =	vst v63  }
0xd5: {  	s7 =	simm.s32 @!p4 $0x9  }
0xd6: {  	_ =	swait.ge @!p4 [sflag:s7], $0x4000  }
0xd7: {  	p1 =	sgt.u32 @!p4 s4, $0x943;
	[sflag:s7] =	ssyncset.done @!p4 $0x0  }
0xd8: {  	s4 =	simm.s32 @!p4 $0x4;
	p1 =	por @!p0 p1, !p3;
	[sflag:s7] =	ssyncadd.s32 @!p4 $0xFFFFC000  }
0xd9: {  	p1 =	por p1, p0;
	_ =	swait.ge @!p4 [sflag:s4], $0x80  }
0xda: {  	s7 =	sadd.s32 @!p1 $0x0, s18;
	[sflag:s4] =	ssyncset.done @!p4 $0x0  }
0xdb: {  	p0 =	por p3, p0;
	[sflag:s4] =	ssyncadd.s32 @!p4 $0xFFFFFF80;
	s4 =	sadd.s32 @!p1 $0xE00, s7  }
0xdc: {  	[tilespmem:s10], [sflag:$0x2] =	stream.indirect.gather @!p4 [hbm4b:s1+s14], $0x80, s13, s14, $0xb8;
	[tilespmem:$0x1C300] =	vst v63  }
0xdd: {  	s7 =	simm.s32 @!p1 $0x0;
	s10 =	simm.s32 @!p1 $0x14280;
	s13 =	simm.s32 @!p0 $0x8  }
0xde: {  	[tilespmem:s10], [sflag:$0x8] =	stream.linear.gather @!p1 [hbm4b:s4+s7], $0x80, $0x38;
	[tilespmem:$0x1C300] =	vst v63  }
0xdf: {  	s30 =	simm.s32 $0x800;
	_ =	swait.ge @!p0 [sflag:s13], $0x80  }
0xe0: {  	s4 =	simm.s32 @!p0 $0x18300;
	s7 =	simm.s32 @!p0 $0x80;
	[sflag:s13] =	ssyncset.done @!p0 $0x0  }
0xe1: {  	s10 =	simm.s32 @!p0 $0x14280;
	[sflag:s13] =	ssyncadd.s32 @!p0 $0xFFFFFF80;
	s13 =	simm.s32 @!p0 $0x9  }
0xe2: {  	[spmem:s2] =	stream.indirect.scatter.add.f32 @!p0 [tilespmem:s4], [sflag:$0x9], $0x80, s10, s7, $0xb8;
	[tilespmem:$0x1C300] =	vst v63  }
0xe3: {  	s23 =	simm.s32 $0x1000;
	s4 =	sadd.s32 $0x80, s5;
	_ =	swait.ge @!p0 [sflag:s13], $0x4000  }
.LBB2_7:
0xe4: {  	s10 =	sadd.s32 $0x40, s4  }
0xe5: {  	[sflag:s13] =	ssyncset.done @!p0 $0x0;
	s7 =	smov.u32 s23;
	s23 =	sadd.s32 $0x800, s23  }
0xe6: {  	p5 =	sne.s32 s23, $0xA000;
	p6 =	slt.u32 s10, $0x9C4;
	[sflag:s13] =	ssyncadd.s32 @!p0 $0xFFFFC000  }
0xe7: {  	_ =	swait.ge [sflag:s9], $0x4000;
	s13 =	sadd.s32 @p6 s30, s19;
	s14 =	simm.s32 @p6 $0x14000  }
0xe8: {  	s16 =	simm.s32 @p6 $0x0;
	[sflag:s9] =	ssyncset.done $0x0;
	s13 =	sadd.s32 @p6 $0x400, s13  }
0xe9: {  	s17 =	simm.s32 @p6 $0x5;
	p0 =	sgt.u32 @p6 s4, $0x943;
	[sflag:s9] =	ssyncadd.s32 $0xFFFFC000  }
0xea: {  	[tilespmem:s14], [sflag:$0x3] =	stream.linear.gather @p6 [hbm4b:s13+s16], $0x80, $0x38;
	[tilespmem:$0x1C300] =	vst v63  }
0xeb: {  	p0 =	por p0, !p6;
	s13 =	simm.s32 @p6 $0x14300;
	_ =	swait.ge @p6 [sflag:s17], $0x80  }
0xec: {  	s6 =	simm.s32 @p6 $0x14100;
	s16 =	simm.s32 @p6 $0x80;
	[sflag:s17] =	ssyncset.done @p6 $0x0  }
0xed: {  	s20 =	sadd.s32 @!p0 s30, s18;
	[sflag:s17] =	ssyncadd.s32 @p6 $0xFFFFFF80;
	s17 =	simm.s32 @p6 $0x9  }
0xee: {  	[spmem:s2] =	stream.indirect.scatter.add.f32 @p6 [tilespmem:s13], [sflag:$0x9], $0x80, s6, s16, $0xb8;
	[tilespmem:$0x1C300] =	vst v63  }
0xef: {  	s6 =	sadd.s32 @!p0 $0x800, s20;
	_ =	swait.ge @p6 [sflag:s17], $0x4000  }
0xf0: {  	s20 =	simm.s32 @p6 $0x3;
	[sflag:s17] =	ssyncset.done @p6 $0x0  }
0xf1: {  	[sflag:s17] =	ssyncadd.s32 @p6 $0xFFFFC000  }
0xf2: {  	_ =	swait.ge @p6 [sflag:s20], $0x80  }
0xf3: {  	[sflag:s20] =	ssyncset.done @p6 $0x0  }
0xf4: {  	s17 =	simm.s32 @!p0 $0x0;
	[sflag:s20] =	ssyncadd.s32 @p6 $0xFFFFFF80;
	s20 =	simm.s32 @!p0 $0x14100  }
0xf5: {  	[tilespmem:s13], [sflag:$0x1] =	stream.indirect.gather @p6 [hbm4b:s1+s16], $0x80, s14, s16, $0xb8;
	[tilespmem:$0x1C300] =	vst v63  }
0xf6: {  	s13 =	simm.s32 @!p6 $0x5  }
0xf7: {  	[tilespmem:s20], [sflag:$0x5] =	stream.linear.gather @!p0 [hbm4b:s6+s17], $0x80, $0x38;
	[tilespmem:$0x1C300] =	vst v63  }
0xf8: {  	s6 =	simm.s32 @!p6 $0x14300;
	_ =	swait.ge @!p6 [sflag:s13], $0x80  }
0xf9: {  	s14 =	simm.s32 @!p6 $0x80;
	s16 =	simm.s32 @!p6 $0x14100;
	[sflag:s13] =	ssyncset.done @!p6 $0x0  }
0xfa: {  	s17 =	simm.s32 @!p6 $0x9;
	[sflag:s13] =	ssyncadd.s32 @!p6 $0xFFFFFF80  }
0xfb: {  	[spmem:s2] =	stream.indirect.scatter.add.f32 @!p6 [tilespmem:s6], [sflag:$0x9], $0x80, s16, s14, $0xb8;
	[tilespmem:$0x1C300] =	vst v63  }
0xfc: {  	_ =	swait.ge @!p6 [sflag:s17], $0x4000  }
0xfd: {  	s13 =	sadd.s32 $0x60, s4;
	[sflag:s17] =	ssyncset.done @!p6 $0x0  }
0xfe: {  	s6 =	sadd.s32 $0x20, s4;
	[sflag:s17] =	ssyncadd.s32 @!p6 $0xFFFFC000;
	p6 =	slt.u32 s13, $0x9C4  }
0xff: {  	_ =	swait.ge [sflag:s24], $0x4000;
	s14 =	sadd.s32 @p6 s30, s19;
	s16 =	simm.s32 @p6 $0x14080  }
0x100: {  	s17 =	simm.s32 @p6 $0x0;
	[sflag:s24] =	ssyncset.done $0x0;
	s14 =	sadd.s32 @p6 $0x600, s14  }
0x101: {  	s20 =	simm.s32 @p6 $0x6;
	p0 =	sgt.u32 @p6 s6, $0x943;
	[sflag:s24] =	ssyncadd.s32 $0xFFFFC000  }
0x102: {  	[tilespmem:s16], [sflag:$0x4] =	stream.linear.gather @p6 [hbm4b:s14+s17], $0x80, $0x38;
	[tilespmem:$0x1C300] =	vst v63  }
0x103: {  	s6 =	simm.s32 @p6 $0x18300;
	p0 =	por p0, !p6;
	_ =	swait.ge @p6 [sflag:s20], $0x80  }
0x104: {  	s14 =	simm.s32 @p6 $0x80;
	s17 =	simm.s32 @p6 $0x14180;
	[sflag:s20] =	ssyncset.done @p6 $0x0  }
0x105: {  	s31 =	sadd.s32 @!p0 s30, s18;
	[sflag:s20] =	ssyncadd.s32 @p6 $0xFFFFFF80;
	s20 =	simm.s32 @p6 $0x9  }
0x106: {  	[spmem:s2] =	stream.indirect.scatter.add.f32 @p6 [tilespmem:s6], [sflag:$0x9], $0x80, s17, s14, $0xb8;
	[tilespmem:$0x1C300] =	vst v63  }
0x107: {  	s17 =	sadd.s32 @!p0 $0xA00, s31;
	_ =	swait.ge @p6 [sflag:s20], $0x4000  }
0x108: {  	s31 =	simm.s32 @p6 $0x4;
	[sflag:s20] =	ssyncset.done @p6 $0x0  }
0x109: {  	[sflag:s20] =	ssyncadd.s32 @p6 $0xFFFFC000  }
0x10a: {  	_ =	swait.ge @p6 [sflag:s31], $0x80  }
0x10b: {  	[sflag:s31] =	ssyncset.done @p6 $0x0  }
0x10c: {  	s20 =	simm.s32 @!p0 $0x0;
	[sflag:s31] =	ssyncadd.s32 @p6 $0xFFFFFF80;
	s31 =	simm.s32 @!p0 $0x14180  }
0x10d: {  	[tilespmem:s6], [sflag:$0x2] =	stream.indirect.gather @p6 [hbm4b:s1+s14], $0x80, s16, s14, $0xb8;
	[tilespmem:$0x1C300] =	vst v63  }
0x10e: {  	s6 =	simm.s32 @!p6 $0x6  }
0x10f: {  	[tilespmem:s31], [sflag:$0x6] =	stream.linear.gather @!p0 [hbm4b:s17+s20], $0x80, $0x38;
	[tilespmem:$0x1C300] =	vst v63  }
0x110: {  	s14 =	simm.s32 @!p6 $0x18300;
	_ =	swait.ge @!p6 [sflag:s6], $0x80  }
0x111: {  	s16 =	simm.s32 @!p6 $0x80;
	s17 =	simm.s32 @!p6 $0x14180;
	[sflag:s6] =	ssyncset.done @!p6 $0x0  }
0x112: {  	[sflag:s6] =	ssyncadd.s32 @!p6 $0xFFFFFF80;
	s6 =	simm.s32 @!p6 $0x9  }
0x113: {  	[spmem:s2] =	stream.indirect.scatter.add.f32 @!p6 [tilespmem:s14], [sflag:$0x9], $0x80, s17, s16, $0xb8;
	[tilespmem:$0x1C300] =	vst v63  }
0x114: {  	p0 =	sgt.u32 s10, $0x9C3;
	_ =	swait.ge @!p6 [sflag:s6], $0x4000  }
0x115: {  	p3 =	slt.u32 @!p0 s10, $0x984;
	s14 =	simm.s32 @!p0 $0x1;
	[sflag:s6] =	ssyncset.done @!p6 $0x0  }
0x116: {  	[sflag:s6] =	ssyncadd.s32 @!p6 $0xFFFFC000;
	p6 =	por !p3, p0  }
0x117: {  	_ =	swait.ge @!p0 [sflag:s14], $0x4000;
	s6 =	sadd.s32 @!p6 s30, s19;
	s16 =	simm.s32 @!p6 $0x14000  }
0x118: {  	s17 =	simm.s32 @!p6 $0x0;
	[sflag:s14] =	ssyncset.done @!p0 $0x0;
	s6 =	sadd.s32 @!p6 $0x800, s6  }
0x119: {  	p1 =	sgt.u32 @!p6 s10, $0x943;
	[sflag:s14] =	ssyncadd.s32 @!p0 $0xFFFFC000;
	s14 =	simm.s32 @!p6 $0x7  }
0x11a: {  	[tilespmem:s16], [sflag:$0x3] =	stream.linear.gather @!p6 [hbm4b:s6+s17], $0x80, $0x38;
	[tilespmem:$0x1C300] =	vst v63  }
0x11b: {  	p1 =	por @!p0 p1, !p3;
	s6 =	simm.s32 @!p6 $0x14300;
	_ =	swait.ge @!p6 [sflag:s14], $0x80  }
0x11c: {  	s10 =	simm.s32 @!p6 $0x80;
	s17 =	simm.s32 @!p6 $0x14200;
	[sflag:s14] =	ssyncset.done @!p6 $0x0  }
0x11d: {  	p1 =	por p1, p0;
	[sflag:s14] =	ssyncadd.s32 @!p6 $0xFFFFFF80;
	s14 =	simm.s32 @!p6 $0x9  }
0x11e: {  	[spmem:s2] =	stream.indirect.scatter.add.f32 @!p6 [tilespmem:s6], [sflag:$0x9], $0x80, s17, s10, $0xb8;
	[tilespmem:$0x1C300] =	vst v63  }
0x11f: {  	s17 =	sadd.s32 @!p1 s30, s18;
	_ =	swait.ge @!p6 [sflag:s14], $0x4000  }
0x120: {  	s20 =	simm.s32 @!p6 $0x3;
	s17 =	sadd.s32 @!p1 $0xC00, s17;
	[sflag:s14] =	ssyncset.done @!p6 $0x0  }
0x121: {  	[sflag:s14] =	ssyncadd.s32 @!p6 $0xFFFFC000  }
0x122: {  	_ =	swait.ge @!p6 [sflag:s20], $0x80  }
0x123: {  	p4 =	por p3, p0;
	[sflag:s20] =	ssyncset.done @!p6 $0x0  }
0x124: {  	s14 =	simm.s32 @!p1 $0x0;
	[sflag:s20] =	ssyncadd.s32 @!p6 $0xFFFFFF80;
	s20 =	simm.s32 @!p1 $0x14200  }
0x125: {  	[tilespmem:s6], [sflag:$0x1] =	stream.indirect.gather @!p6 [hbm4b:s1+s10], $0x80, s16, s10, $0xb8;
	[tilespmem:$0x1C300] =	vst v63  }
0x126: {  	s6 =	simm.s32 @!p4 $0x7  }
0x127: {  	[tilespmem:s20], [sflag:$0x7] =	stream.linear.gather @!p1 [hbm4b:s17+s14], $0x80, $0x38;
	[tilespmem:$0x1C300] =	vst v63  }
0x128: {  	s10 =	simm.s32 @!p4 $0x14300;
	_ =	swait.ge @!p4 [sflag:s6], $0x80  }
0x129: {  	s16 =	simm.s32 @!p4 $0x14200;
	s14 =	simm.s32 @!p4 $0x80;
	[sflag:s6] =	ssyncset.done @!p4 $0x0  }
0x12a: {  	[sflag:s6] =	ssyncadd.s32 @!p4 $0xFFFFFF80;
	s6 =	simm.s32 @!p4 $0x9  }
0x12b: {  	[spmem:s2] =	stream.indirect.scatter.add.f32 @!p4 [tilespmem:s10], [sflag:$0x9], $0x80, s16, s14, $0xb8;
	[tilespmem:$0x1C300] =	vst v63  }
0x12c: {  	p0 =	sgt.u32 s13, $0x9C3;
	_ =	swait.ge @!p4 [sflag:s6], $0x4000  }
0x12d: {  	p3 =	slt.u32 @!p0 s13, $0x984;
	s10 =	simm.s32 @!p0 $0x2;
	[sflag:s6] =	ssyncset.done @!p4 $0x0  }
0x12e: {  	p6 =	por !p3, p0;
	[sflag:s6] =	ssyncadd.s32 @!p4 $0xFFFFC000  }
0x12f: {  	s14 =	simm.s32 @!p6 $0x14080;
	s6 =	sadd.s32 @!p6 s30, s19;
	_ =	swait.ge @!p0 [sflag:s10], $0x4000  }
0x130: {  	s16 =	simm.s32 @!p6 $0x0;
	s6 =	sadd.s32 @!p6 $0xA00, s6;
	[sflag:s10] =	ssyncset.done @!p0 $0x0  }
0x131: {  	p1 =	sgt.u32 @!p6 s13, $0x943;
	[sflag:s10] =	ssyncadd.s32 @!p0 $0xFFFFC000;
	s10 =	simm.s32 @!p6 $0x8  }
0x132: {  	[tilespmem:s14], [sflag:$0x4] =	stream.linear.gather @!p6 [hbm4b:s6+s16], $0x80, $0x38;
	[tilespmem:$0x1C300] =	vst v63  }
0x133: {  	p1 =	por @!p0 p1, !p3;
	s6 =	simm.s32 @!p6 $0x18300;
	_ =	swait.ge @!p6 [sflag:s10], $0x80  }
0x134: {  	s13 =	simm.s32 @!p6 $0x80;
	s16 =	simm.s32 @!p6 $0x14280;
	[sflag:s10] =	ssyncset.done @!p6 $0x0  }
0x135: {  	p4 =	por p1, p0;
	[sflag:s10] =	ssyncadd.s32 @!p6 $0xFFFFFF80;
	s10 =	simm.s32 @!p6 $0x9  }
0x136: {  	[spmem:s2] =	stream.indirect.scatter.add.f32 @!p6 [tilespmem:s6], [sflag:$0x9], $0x80, s16, s13, $0xb8;
	[tilespmem:$0x1C300] =	vst v63  }
0x137: {  	s16 =	sadd.s32 @!p4 s30, s18;
	s30 =	smov.u32 s7;
	_ =	swait.ge @!p6 [sflag:s10], $0x4000  }
0x138: {  	s7 =	simm.s32 @!p6 $0x4;
	s16 =	sadd.s32 @!p4 $0xE00, s16;
	[sflag:s10] =	ssyncset.done @!p6 $0x0  }
0x139: {  	[sflag:s10] =	ssyncadd.s32 @!p6 $0xFFFFC000  }
0x13a: {  	_ =	swait.ge @!p6 [sflag:s7], $0x80  }
0x13b: {  	p0 =	por p3, p0;
	[sflag:s7] =	ssyncset.done @!p6 $0x0  }
0x13c: {  	s10 =	simm.s32 @!p4 $0x14280;
	[sflag:s7] =	ssyncadd.s32 @!p6 $0xFFFFFF80;
	s7 =	simm.s32 @!p4 $0x0  }
0x13d: {  	[tilespmem:s6], [sflag:$0x2] =	stream.indirect.gather @!p6 [hbm4b:s1+s13], $0x80, s14, s13, $0xb8;
	[tilespmem:$0x1C300] =	vst v63  }
0x13e: {  	s6 =	simm.s32 @!p0 $0x8  }
0x13f: {  	[tilespmem:s10], [sflag:$0x8] =	stream.linear.gather @!p4 [hbm4b:s16+s7], $0x80, $0x38;
	[tilespmem:$0x1C300] =	vst v63  }
.Ltmp3:
0x140: {  	s7 =	simm.s32 @!p0 $0x18300;
	_ =	swait.ge @!p0 [sflag:s6], $0x80;
	(pc) =	sbr.rel @p5 .LBB2_7-.Ltmp3, $4  }
0x141: {  	s14 =	simm.s32 @!p0 $0x14280;
	s10 =	simm.s32 @!p0 $0x80;
	[sflag:s6] =	ssyncset.done @!p0 $0x0  }
0x142: {  	s13 =	simm.s32 @!p0 $0x9;
	[sflag:s6] =	ssyncadd.s32 @!p0 $0xFFFFFF80  }
0x143: {  	[spmem:s2] =	stream.indirect.scatter.add.f32 @!p0 [tilespmem:s7], [sflag:$0x9], $0x80, s14, s10, $0xb8;
	[tilespmem:$0x1C300] =	vst v63  }
0x144: {  	s4 =	sadd.s32 $0x80, s4;
	_ =	swait.ge @!p0 [sflag:s13], $0x4000  }
0x145: {  	s10 =	sadd.s32 $0x40, s4;
	[sflag:s13] =	ssyncset.done @!p0 $0x0  }
0x146: {  	p3 =	slt.u32 s10, $0x9C4;
	[sflag:s13] =	ssyncadd.s32 @!p0 $0xFFFFC000  }
0x147: {  	_ =	swait.ge [sflag:s9], $0x4000;
	s6 =	sadd.s32 @p3 s30, s19  }
0x148: {  	s7 =	simm.s32 @p3 $0x14000;
	s13 =	simm.s32 @p3 $0x0;
	[sflag:s9] =	ssyncset.done $0x0  }
0x149: {  	s14 =	simm.s32 @p3 $0x5;
	s6 =	sadd.s32 @p3 $0x400, s6;
	[sflag:s9] =	ssyncadd.s32 $0xFFFFC000  }
0x14a: {  	[tilespmem:s7], [sflag:$0x3] =	stream.linear.gather @p3 [hbm4b:s6+s13], $0x80, $0x38;
	[tilespmem:$0x1C300] =	vst v63  }
0x14b: {  	_ =	swait.ge @p3 [sflag:s14], $0x80  }
0x14c: {  	s16 =	simm.s32 @p3 $0x14100;
	s6 =	simm.s32 @p3 $0x14300;
	[sflag:s14] =	ssyncset.done @p3 $0x0  }
0x14d: {  	s13 =	simm.s32 @p3 $0x80;
	[sflag:s14] =	ssyncadd.s32 @p3 $0xFFFFFF80;
	s14 =	simm.s32 @p3 $0x9  }
0x14e: {  	[spmem:s2] =	stream.indirect.scatter.add.f32 @p3 [tilespmem:s6], [sflag:$0x9], $0x80, s16, s13, $0xb8;
	[tilespmem:$0x1C300] =	vst v63  }
0x14f: {  	_ =	swait.ge @p3 [sflag:s14], $0x4000  }
0x150: {  	[sflag:s14] =	ssyncset.done @p3 $0x0  }
0x151: {  	p0 =	sgt.u32 @p3 s4, $0x943;
	s16 =	simm.s32 @p3 $0x3;
	[sflag:s14] =	ssyncadd.s32 @p3 $0xFFFFC000  }
0x152: {  	p0 =	por p0, !p3;
	_ =	swait.ge @p3 [sflag:s16], $0x80  }
0x153: {  	s14 =	sadd.s32 @!p0 s30, s18;
	[sflag:s16] =	ssyncset.done @p3 $0x0  }
0x154: {  	s14 =	sadd.s32 @!p0 $0x800, s14;
	[sflag:s16] =	ssyncadd.s32 @p3 $0xFFFFFF80  }
0x155: {  	[tilespmem:s6], [sflag:$0x1] =	stream.indirect.gather @p3 [hbm4b:s1+s13], $0x80, s7, s13, $0xb8;
	[tilespmem:$0x1C300] =	vst v63  }
0x156: {  	s6 =	simm.s32 @!p0 $0x0;
	s7 =	simm.s32 @!p0 $0x14100;
	s13 =	simm.s32 @!p3 $0x5  }
0x157: {  	[tilespmem:s7], [sflag:$0x5] =	stream.linear.gather @!p0 [hbm4b:s14+s6], $0x80, $0x38;
	[tilespmem:$0x1C300] =	vst v63  }
0x158: {  	_ =	swait.ge @!p3 [sflag:s13], $0x80  }
0x159: {  	s6 =	simm.s32 @!p3 $0x14300;
	s7 =	simm.s32 @!p3 $0x80;
	[sflag:s13] =	ssyncset.done @!p3 $0x0  }
0x15a: {  	s14 =	simm.s32 @!p3 $0x14100;
	[sflag:s13] =	ssyncadd.s32 @!p3 $0xFFFFFF80;
	s13 =	simm.s32 @!p3 $0x9  }
0x15b: {  	[spmem:s2] =	stream.indirect.scatter.add.f32 @!p3 [tilespmem:s6], [sflag:$0x9], $0x80, s14, s7, $0xb8;
	[tilespmem:$0x1C300] =	vst v63  }
0x15c: {  	_ =	swait.ge @!p3 [sflag:s13], $0x4000  }
0x15d: {  	s7 =	sadd.s32 $0x60, s4;
	[sflag:s13] =	ssyncset.done @!p3 $0x0  }
0x15e: {  	p0 =	slt.u32 s7, $0x9C4;
	[sflag:s13] =	ssyncadd.s32 @!p3 $0xFFFFC000  }
0x15f: {  	s6 =	sadd.s32 @p0 s30, s19;
	_ =	swait.ge [sflag:s24], $0x4000  }
0x160: {  	s14 =	simm.s32 @p0 $0x0;
	s16 =	simm.s32 @p0 $0x6;
	[sflag:s24] =	ssyncset.done $0x0  }
0x161: {  	s13 =	simm.s32 @p0 $0x14080;
	s6 =	sadd.s32 @p0 $0x600, s6;
	[sflag:s24] =	ssyncadd.s32 $0xFFFFC000  }
0x162: {  	[tilespmem:s13], [sflag:$0x4] =	stream.linear.gather @p0 [hbm4b:s6+s14], $0x80, $0x38;
	[tilespmem:$0x1C300] =	vst v63  }
0x163: {  	_ =	swait.ge @p0 [sflag:s16], $0x80  }
0x164: {  	s17 =	simm.s32 @p0 $0x14180;
	s6 =	simm.s32 @p0 $0x18300;
	[sflag:s16] =	ssyncset.done @p0 $0x0  }
0x165: {  	s14 =	simm.s32 @p0 $0x80;
	[sflag:s16] =	ssyncadd.s32 @p0 $0xFFFFFF80;
	s16 =	simm.s32 @p0 $0x9  }
0x166: {  	[spmem:s2] =	stream.indirect.scatter.add.f32 @p0 [tilespmem:s6], [sflag:$0x9], $0x80, s17, s14, $0xb8;
	[tilespmem:$0x1C300] =	vst v63  }
0x167: {  	_ =	swait.ge @p0 [sflag:s16], $0x4000  }
0x168: {  	s4 =	sadd.s32 $0x20, s4;
	[sflag:s16] =	ssyncset.done @p0 $0x0  }
0x169: {  	p1 =	sgt.u32 @p0 s4, $0x943;
	s4 =	simm.s32 @p0 $0x4;
	[sflag:s16] =	ssyncadd.s32 @p0 $0xFFFFC000  }
0x16a: {  	p1 =	por p1, !p0;
	_ =	swait.ge @p0 [sflag:s4], $0x80  }
0x16b: {  	s16 =	sadd.s32 @!p1 s30, s18;
	[sflag:s4] =	ssyncset.done @p0 $0x0  }
0x16c: {  	s16 =	sadd.s32 @!p1 $0xA00, s16;
	[sflag:s4] =	ssyncadd.s32 @p0 $0xFFFFFF80  }
0x16d: {  	[tilespmem:s6], [sflag:$0x2] =	stream.indirect.gather @p0 [hbm4b:s1+s14], $0x80, s13, s14, $0xb8;
	[tilespmem:$0x1C300] =	vst v63  }
0x16e: {  	s4 =	simm.s32 @!p1 $0x0;
	s6 =	simm.s32 @!p1 $0x14180;
	s13 =	simm.s32 @!p0 $0x6  }
0x16f: {  	[tilespmem:s6], [sflag:$0x6] =	stream.linear.gather @!p1 [hbm4b:s16+s4], $0x80, $0x38;
	[tilespmem:$0x1C300] =	vst v63  }
0x170: {  	_ =	swait.ge @!p0 [sflag:s13], $0x80  }
0x171: {  	s14 =	simm.s32 @!p0 $0x14180;
	s4 =	simm.s32 @!p0 $0x18300;
	[sflag:s13] =	ssyncset.done @!p0 $0x0  }
0x172: {  	s6 =	simm.s32 @!p0 $0x80;
	[sflag:s13] =	ssyncadd.s32 @!p0 $0xFFFFFF80;
	s13 =	simm.s32 @!p0 $0x9  }
0x173: {  	[spmem:s2] =	stream.indirect.scatter.add.f32 @!p0 [tilespmem:s4], [sflag:$0x9], $0x80, s14, s6, $0xb8;
	[tilespmem:$0x1C300] =	vst v63  }
0x174: {  	p3 =	sgt.u32 s10, $0x9C3;
	_ =	swait.ge @!p0 [sflag:s13], $0x4000  }
0x175: {  	p5 =	slt.u32 @!p3 s10, $0x984;
	[sflag:s13] =	ssyncset.done @!p0 $0x0  }
0x176: {  	s4 =	simm.s32 @!p3 $0x1;
	[sflag:s13] =	ssyncadd.s32 @!p0 $0xFFFFC000;
	p0 =	por !p5, p3  }
0x177: {  	_ =	swait.ge @!p3 [sflag:s4], $0x4000;
	s6 =	sadd.s32 @!p0 s30, s19  }
0x178: {  	s13 =	simm.s32 @!p0 $0x14000;
	s14 =	simm.s32 @!p0 $0x0;
	[sflag:s4] =	ssyncset.done @!p3 $0x0  }
0x179: {  	s6 =	sadd.s32 @!p0 $0x800, s6;
	[sflag:s4] =	ssyncadd.s32 @!p3 $0xFFFFC000;
	s4 =	simm.s32 @!p0 $0x7  }
0x17a: {  	[tilespmem:s13], [sflag:$0x3] =	stream.linear.gather @!p0 [hbm4b:s6+s14], $0x80, $0x38;
	[tilespmem:$0x1C300] =	vst v63  }
0x17b: {  	_ =	swait.ge @!p0 [sflag:s4], $0x80  }
0x17c: {  	s16 =	simm.s32 @!p0 $0x14200;
	s6 =	simm.s32 @!p0 $0x14300;
	[sflag:s4] =	ssyncset.done @!p0 $0x0  }
0x17d: {  	s14 =	simm.s32 @!p0 $0x80;
	[sflag:s4] =	ssyncadd.s32 @!p0 $0xFFFFFF80;
	s4 =	simm.s32 @!p0 $0x9  }
0x17e: {  	[spmem:s2] =	stream.indirect.scatter.add.f32 @!p0 [tilespmem:s6], [sflag:$0x9], $0x80, s16, s14, $0xb8;
	[tilespmem:$0x1C300] =	vst v63  }
0x17f: {  	_ =	swait.ge @!p0 [sflag:s4], $0x4000  }
0x180: {  	p1 =	sgt.u32 @!p0 s10, $0x943;
	[sflag:s4] =	ssyncset.done @!p0 $0x0  }
0x181: {  	s10 =	simm.s32 @!p0 $0x3;
	p1 =	por @!p3 p1, !p5;
	[sflag:s4] =	ssyncadd.s32 @!p0 $0xFFFFC000  }
0x182: {  	p4 =	por p1, p3;
	_ =	swait.ge @!p0 [sflag:s10], $0x80  }
0x183: {  	s4 =	sadd.s32 @!p4 s30, s18;
	[sflag:s10] =	ssyncset.done @!p0 $0x0  }
0x184: {  	p1 =	por p5, p3;
	s4 =	sadd.s32 @!p4 $0xC00, s4;
	[sflag:s10] =	ssyncadd.s32 @!p0 $0xFFFFFF80  }
0x185: {  	[tilespmem:s6], [sflag:$0x1] =	stream.indirect.gather @!p0 [hbm4b:s1+s14], $0x80, s13, s14, $0xb8;
	[tilespmem:$0x1C300] =	vst v63  }
0x186: {  	s10 =	simm.s32 @!p4 $0x14200;
	s6 =	simm.s32 @!p4 $0x0;
	s13 =	simm.s32 @!p1 $0x7  }
0x187: {  	[tilespmem:s10], [sflag:$0x7] =	stream.linear.gather @!p4 [hbm4b:s4+s6], $0x80, $0x38;
	[tilespmem:$0x1C300] =	vst v63  }
0x188: {  	_ =	swait.ge @!p1 [sflag:s13], $0x80  }
0x189: {  	s4 =	simm.s32 @!p1 $0x14300;
	s6 =	simm.s32 @!p1 $0x80;
	[sflag:s13] =	ssyncset.done @!p1 $0x0  }
0x18a: {  	s10 =	simm.s32 @!p1 $0x14200;
	[sflag:s13] =	ssyncadd.s32 @!p1 $0xFFFFFF80;
	s13 =	simm.s32 @!p1 $0x9  }
0x18b: {  	[spmem:s2] =	stream.indirect.scatter.add.f32 @!p1 [tilespmem:s4], [sflag:$0x9], $0x80, s10, s6, $0xb8;
	[tilespmem:$0x1C300] =	vst v63  }
0x18c: {  	p0 =	sgt.u32 s7, $0x9C3;
	_ =	swait.ge @!p1 [sflag:s13], $0x4000  }
0x18d: {  	p3 =	slt.u32 @!p0 s7, $0x984;
	[sflag:s13] =	ssyncset.done @!p1 $0x0  }
0x18e: {  	p4 =	por !p3, p0;
	s4 =	simm.s32 @!p0 $0x2;
	[sflag:s13] =	ssyncadd.s32 @!p1 $0xFFFFC000  }
0x18f: {  	s6 =	sadd.s32 @!p4 s30, s19;
	_ =	swait.ge @!p0 [sflag:s4], $0x4000  }
0x190: {  	s10 =	simm.s32 @!p4 $0x14080;
	s6 =	sadd.s32 @!p4 $0xA00, s6;
	[sflag:s4] =	ssyncset.done @!p0 $0x0  }
0x191: {  	s13 =	simm.s32 @!p4 $0x0;
	[sflag:s4] =	ssyncadd.s32 @!p0 $0xFFFFC000;
	s4 =	simm.s32 @!p4 $0x8  }
0x192: {  	[tilespmem:s10], [sflag:$0x4] =	stream.linear.gather @!p4 [hbm4b:s6+s13], $0x80, $0x38;
	[tilespmem:$0x1C300] =	vst v63  }
0x193: {  	_ =	swait.ge @!p4 [sflag:s4], $0x80  }
0x194: {  	s14 =	simm.s32 @!p4 $0x14280;
	s6 =	simm.s32 @!p4 $0x18300;
	[sflag:s4] =	ssyncset.done @!p4 $0x0  }
0x195: {  	s13 =	simm.s32 @!p4 $0x80;
	[sflag:s4] =	ssyncadd.s32 @!p4 $0xFFFFFF80;
	s4 =	simm.s32 @!p4 $0x9  }
0x196: {  	[spmem:s2] =	stream.indirect.scatter.add.f32 @!p4 [tilespmem:s6], [sflag:$0x9], $0x80, s14, s13, $0xb8;
	[tilespmem:$0x1C300] =	vst v63  }
0x197: {  	_ =	swait.ge @!p4 [sflag:s4], $0x4000  }
0x198: {  	p1 =	sgt.u32 @!p4 s7, $0x943;
	[sflag:s4] =	ssyncset.done @!p4 $0x0  }
0x199: {  	s7 =	simm.s32 @!p4 $0x4;
	p1 =	por @!p0 p1, !p3;
	[sflag:s4] =	ssyncadd.s32 @!p4 $0xFFFFC000  }
0x19a: {  	p1 =	por p1, p0;
	_ =	swait.ge @!p4 [sflag:s7], $0x80  }
0x19b: {  	s4 =	sadd.s32 @!p1 s30, s18;
	[sflag:s7] =	ssyncset.done @!p4 $0x0  }
0x19c: {  	p0 =	por p3, p0;
	s4 =	sadd.s32 @!p1 $0xE00, s4;
	[sflag:s7] =	ssyncadd.s32 @!p4 $0xFFFFFF80  }
0x19d: {  	[tilespmem:s6], [sflag:$0x2] =	stream.indirect.gather @!p4 [hbm4b:s1+s13], $0x80, s10, s13, $0xb8;
	[tilespmem:$0x1C300] =	vst v63  }
0x19e: {  	s7 =	simm.s32 @!p1 $0x14280;
	s6 =	simm.s32 @!p1 $0x0;
	s10 =	simm.s32 @!p0 $0x8  }
0x19f: {  	[tilespmem:s7], [sflag:$0x8] =	stream.linear.gather @!p1 [hbm4b:s4+s6], $0x80, $0x38;
	[tilespmem:$0x1C300] =	vst v63  }
0x1a0: {  	_ =	swait.ge @!p0 [sflag:s10], $0x80  }
0x1a1: {  	s4 =	simm.s32 @!p0 $0x18300;
	s6 =	simm.s32 @!p0 $0x80;
	[sflag:s10] =	ssyncset.done @!p0 $0x0  }
0x1a2: {  	s7 =	simm.s32 @!p0 $0x14280;
	[sflag:s10] =	ssyncadd.s32 @!p0 $0xFFFFFF80;
	s10 =	simm.s32 @!p0 $0x9  }
0x1a3: {  	[spmem:s2] =	stream.indirect.scatter.add.f32 @!p0 [tilespmem:s4], [sflag:$0x9], $0x80, s7, s6, $0xb8;
	[tilespmem:$0x1C300] =	vst v63  }
0x1a4: {  	_ =	swait.ge @!p0 [sflag:s10], $0x4000  }
0x1a5: {  	[sflag:s10] =	ssyncset.done @!p0 $0x0  }
0x1a6: {  	[sflag:s10] =	ssyncadd.s32 @!p0 $0xFFFFC000  }
0x1a7: {  	s4 =	sadd.s32 @p2 $0x24900, s21;
	s6 =	simm.s32 @p2 $0x1FC9;
	[bflag:$0x0] =	sbarrier.arrive $0xFFFF  }
0x1a8: {  	[hbm:s4], [sflag:s6] =	dma.local @p2 [spmem:s29], $0x2800  }
0x1a9: {  	s4 =	simm.s32 @p2 $0x9  }
0x1aa: {  	_ =	swait.ge @p2 [sflag:s4], $0x2800  }
0x1ab: {  	[sflag:s4] =	ssyncset.done @p2 $0x0  }
0x1ac: {  	s25 =	sadd.s32 $0x1, s25;
	[sflag:s4] =	ssyncadd.s32 @p2 $0xFFFFD800;
	s4 =	rddreg [dreg:$0x5]  }
0x1ad: {  	p0 =	sne.s32 s25, s22;
	s6 =	sor.u32 @!p2 $0x1C09, s26;
	s4 =	sadd.s32 @!p2 s4, s21  }
0x1ae: {  	[hbm:s4], [sflag:s6] =	dma.local @!p2 [spmem:s28], $0x2700  }
.Ltmp4:
0x1af: {  	_ = 	snop;
	(pc) =	sbr.rel @p0 .LBB2_1-.Ltmp4, $4  }
0x1b0: {  	s4 =	simm.s32 @!p2 $0x9  }
0x1b1: {  	_ =	swait.ge @!p2 [sflag:s4], $0x2700  }
0x1b2: {  	[sflag:s4] =	ssyncset.done @!p2 $0x0  }
0x1b3: {  	[sflag:s4] =	ssyncadd.s32 @!p2 $0xFFFFD900  }
0x1b4: {  	_ =	sfence.sel $0x180000  }
0x1b5: {  	[bflag:$0x0] =	sbarrier.arrive $0xFFFF  }
0x1b6: {  	_ =	strace $0x90000047  }
0x1b7: {  	s0 =	stileid.u32;
	[bflag:$0x2] =	sbarrier.arrive $0xFFFF  }
0x1b8: {  	p0 =	sne.s32 s0, $0x0;
	s0 =	rddreg [dreg:$0x4]  }
0x1b9: {  	s0 =	sadd.s32 @!p0 $0x100000, s0  }
0x1ba: {  	[sflag:s0] =	ssyncadd.tile.s32 @!p0 $0x1;
	_ =	shalt  }
.Lfunc_end2:
_tile_overlayer_lowered:
.L_overlay_start_2:
0x1bb: {  	(tag) =	ssettag $0x2  }
0x1bc: {  	s0 =	rddreg [dreg:$0x0];
	s2 =	stileid.u32  }
0x1bd: {  	s1 =	rddreg [dreg:$0x1];
	p0 =	sne.s32 s2, $0x0  }
0x1be: {  	s3 =	rddreg [dreg:$0x2];
	[bflag:$0x3] =	sbarrier.arrive $0xFFFF;
	s2 =	simm.s32 @!p0 $0x1C09  }
0x1bf: {  	[timem:s3], [sflag:s2] =	dma.local @!p0 [hbm:s0], s1  }
0x1c0: {  	s0 =	simm.s32 @!p0 $0x9  }
0x1c1: {  	_ =	swait.ge @!p0 [sflag:s0], s1  }
0x1c2: {  	s1 =	ssub.s32 @!p0 $0x0, s1;
	[sflag:s0] =	ssyncset.done @!p0 $0x0  }
0x1c3: {  	[sflag:s0] =	ssyncadd.s32 @!p0 s1  }
0x1c4: {  	[bflag:$0x3] =	sbarrier.arrive $0xFFFF  }
0x1c5: {  	_ =	shalt  }

</sc_bundles>
